<compile_context>
chip_gen: v7x
topology: tpu7x:2x2x1
jax: 0.10.2.dev20260603
libtpu: 0.0.44.dev20260713+nightly
codegen_flags: <defaults>
</compile_context>

<pallas_src>
import functools

import jax
import jax.numpy as jnp
from jax import lax
from jax.experimental import pallas as pl
from jax.experimental.pallas import tpu as pltpu
from jax.experimental.pallas import tpu_sc as plsc

B = 16384
ED = 256
HD = 512
CD = 256
K = 8192
BETA = 0.25

BB = 256
KC = 1024
NKC = K // KC


def _mm(a, b, dims):
    return lax.dot_general(a, b, (dims, ((), ())),
                           precision=lax.Precision.DEFAULT,
                           preferred_element_type=jnp.float32)



def _enc_body(subj_ref, rel_ref, obj_ref, w1_ref, b1_ref, w2_ref, b2_ref,
              w3_ref, b3_ref, z_ref, pv_ref):
    pv_ref[:, 0:ED] = subj_ref[...]
    pv_ref[:, ED:2 * ED] = rel_ref[...]
    pv_ref[:, 2 * ED:3 * ED] = obj_ref[...]
    h = jnp.maximum(_mm(pv_ref[...], w1_ref[...], ((1,), (0,))) + b1_ref[...], 0.0)
    h = jnp.maximum(_mm(h, w2_ref[...], ((1,), (0,))) + b2_ref[...], 0.0)
    z_ref[...] = _mm(h, w3_ref[...], ((1,), (0,))) + b3_ref[...]


def _encoder(subj, rel, obj, w1, b1, w2, b2, w3, b3):
    full = lambda i: (0, 0)
    return pl.pallas_call(
        _enc_body,
        grid=(B // BB,),
        in_specs=[
            pl.BlockSpec((BB, ED), lambda i: (i, 0)),
            pl.BlockSpec((BB, ED), lambda i: (i, 0)),
            pl.BlockSpec((BB, ED), lambda i: (i, 0)),
            pl.BlockSpec((3 * ED, HD), full),
            pl.BlockSpec((1, HD), full),
            pl.BlockSpec((HD, HD), full),
            pl.BlockSpec((1, HD), full),
            pl.BlockSpec((HD, CD), full),
            pl.BlockSpec((1, CD), full),
        ],
        out_specs=pl.BlockSpec((BB, CD), lambda i: (i, 0)),
        out_shape=jax.ShapeDtypeStruct((B, CD), jnp.float32),
        scratch_shapes=[pltpu.VMEM((BB, 3 * ED), jnp.float32)],
    )(subj, rel, obj, w1, b1, w2, b2, w3, b3)



_GB = (0, 2731, 5462, 8192)


def _vq_body(z_ref, zs_ref, cs_ref, cb_ref, codes_ref):
    z = z_ref[...]
    zs = zs_ref[...]
    gmin = [jnp.full((BB, 1), jnp.inf, jnp.float32) for _ in range(3)]
    gidx = [jnp.zeros((BB, 1), jnp.int32) for _ in range(3)]
    iota = lax.broadcasted_iota(jnp.int32, (BB, KC), 1)
    for c in range(NKC):
        lo = c * KC
        hi = lo + KC
        cb_c = cb_ref[lo:hi, :]
        t = _mm(z, cb_c, ((1,), (1,)))
        d = (zs + cs_ref[:, lo:hi]) - 2.0 * t
        for g in range(3):
            glo, ghi = _GB[g], _GB[g + 1]
            if ghi <= lo or glo >= hi:
                continue
            if glo <= lo and hi <= ghi:
                dg = d
            else:
                mask = (iota >= (glo - lo)) & (iota < (ghi - lo))
                dg = jnp.where(mask, d, jnp.inf)
            m = jnp.min(dg, axis=1, keepdims=True)
            idx = jnp.min(jnp.where(dg == m, iota, KC), axis=1, keepdims=True) + lo
            better = m < gmin[g]
            gidx[g] = jnp.where(better, idx, gidx[g])
            gmin[g] = jnp.where(better, m, gmin[g])
    acc_v = gmin[0].astype(jnp.bfloat16).astype(jnp.float32)
    acc_i = gidx[0]
    for g in (1, 2):
        keep_val = acc_v < gmin[g]
        keep_idx = keep_val | (acc_v == gmin[g])
        acc_i = jnp.where(keep_idx, acc_i, gidx[g])
        acc_v = jnp.where(keep_val, acc_v, gmin[g]).astype(jnp.bfloat16).astype(jnp.float32)
    codes_ref[...] = acc_i


def _vq(z, zs, cs_row, codebook):
    full = lambda i: (0, 0)
    return pl.pallas_call(
        _vq_body,
        grid=(B // BB,),
        in_specs=[
            pl.BlockSpec((BB, CD), lambda i: (i, 0)),
            pl.BlockSpec((BB, 1), lambda i: (i, 0)),
            pl.BlockSpec((1, K), full),
            pl.BlockSpec((K, CD), full),
        ],
        out_specs=pl.BlockSpec((BB, 1), lambda i: (i, 0)),
        out_shape=jax.ShapeDtypeStruct((B, 1), jnp.int32),
    )(z, zs, cs_row, codebook)



_NC = 2
_NS = 16
_NW = _NC * _NS
_BPW = B // _NW
_GCH = 4
_BPC = _BPW // _GCH


@functools.cache
def _sc_gather_fn():
    @functools.partial(
        pl.kernel,
        out_type=jax.ShapeDtypeStruct((B, CD), jnp.float32),
        mesh=plsc.VectorSubcoreMesh(core_axis_name="c", subcore_axis_name="s"),
        scratch_types=[
            pltpu.VMEM((2, _BPC), jnp.int32),
            pltpu.VMEM((2, _BPC, CD), jnp.float32),
            pltpu.SemaphoreType.DMA,
            pltpu.SemaphoreType.DMA,
        ],
    )
    def _sc_gather(cb_hbm, idx_hbm, out_hbm, idx_v, rows_v, gsem, wsem):
        wid = lax.axis_index("s") * _NC + lax.axis_index("c")
        base = wid * _BPW
        gh = [None] * _GCH
        wh = [None] * _GCH
        for ch in range(_GCH):
            b = ch % 2
            if ch >= 2:
                wh[ch - 2].wait()
            pltpu.sync_copy(idx_hbm.at[pl.ds(base + ch * _BPC, _BPC)], idx_v.at[b])
            gh[ch] = pltpu.async_copy(cb_hbm.at[idx_v.at[b]], rows_v.at[b], gsem)
            if ch >= 1:
                gh[ch - 1].wait()
                wh[ch - 1] = pltpu.async_copy(
                    rows_v.at[(ch - 1) % 2],
                    out_hbm.at[pl.ds(base + (ch - 1) * _BPC, _BPC)], wsem)
        gh[_GCH - 1].wait()
        wh[_GCH - 2].wait()
        wh[_GCH - 1] = pltpu.async_copy(
            rows_v.at[(_GCH - 1) % 2],
            out_hbm.at[pl.ds(base + (_GCH - 1) * _BPC, _BPC)], wsem)
        wh[_GCH - 1].wait()

    return _sc_gather



def _dec_body(z_ref, zq_ref, w1_ref, b1_ref, w2_ref, b2_ref, w3_ref, b3_ref,
              subj_ref, rel_ref, obj_ref, loss_ref):
    z = z_ref[...]
    zq = zq_ref[...]
    diff = zq - z
    zq_st = z + diff
    h = jnp.maximum(_mm(zq_st, w1_ref[...], ((1,), (0,))) + b1_ref[...], 0.0)
    h = jnp.maximum(_mm(h, w2_ref[...], ((1,), (0,))) + b2_ref[...], 0.0)
    out = _mm(h, w3_ref[...], ((1,), (0,))) + b3_ref[...]
    subj_ref[...] = out[:, 0:ED]
    rel_ref[...] = out[:, ED:2 * ED]
    obj_ref[...] = out[:, 2 * ED:3 * ED]

    part = jnp.sum(diff * diff)

    @pl.when(pl.program_id(0) == 0)
    def _init():
        loss_ref[...] = jnp.zeros_like(loss_ref)

    loss_ref[...] = loss_ref[...] + part


def _decoder(z, zq, w1, b1, w2, b2, w3, b3):
    full = lambda i: (0, 0)
    return pl.pallas_call(
        _dec_body,
        grid=(B // BB,),
        in_specs=[
            pl.BlockSpec((BB, CD), lambda i: (i, 0)),
            pl.BlockSpec((BB, CD), lambda i: (i, 0)),
            pl.BlockSpec((CD, HD), full),
            pl.BlockSpec((1, HD), full),
            pl.BlockSpec((HD, HD), full),
            pl.BlockSpec((1, HD), full),
            pl.BlockSpec((HD, 3 * ED), full),
            pl.BlockSpec((1, 3 * ED), full),
        ],
        out_specs=[
            pl.BlockSpec((BB, ED), lambda i: (i, 0)),
            pl.BlockSpec((BB, ED), lambda i: (i, 0)),
            pl.BlockSpec((BB, ED), lambda i: (i, 0)),
            pl.BlockSpec((1, 1), full),
        ],
        out_shape=[
            jax.ShapeDtypeStruct((B, ED), jnp.float32),
            jax.ShapeDtypeStruct((B, ED), jnp.float32),
            jax.ShapeDtypeStruct((B, ED), jnp.float32),
            jax.ShapeDtypeStruct((1, 1), jnp.float32),
        ],
    )(z, zq, w1, b1, w2, b2, w3, b3)




def kernel(subj_emb, rel_emb, obj_emb, enc_W1, enc_b1, enc_W2, enc_b2,
           enc_W3, enc_b3, codebook, dec_W1, dec_b1, dec_W2, dec_b2,
           dec_W3, dec_b3):
    z = _encoder(
        subj_emb, rel_emb, obj_emb,
        enc_W1, enc_b1.reshape(1, HD),
        enc_W2, enc_b2.reshape(1, HD),
        enc_W3, enc_b3.reshape(1, CD))
    zs = jnp.sum(z ** 2, axis=1, keepdims=True)
    cs_row = jnp.sum(codebook ** 2, axis=1).reshape(1, K)
    codes2d = _vq(z, zs, cs_row, codebook)
    codes = codes2d.reshape(B)
    zq = _sc_gather_fn()(codebook, codes)
    subj_recon, rel_recon, obj_recon, loss_sum = _decoder(
        z, zq,
        dec_W1, dec_b1.reshape(1, HD),
        dec_W2, dec_b2.reshape(1, HD),
        dec_W3, dec_b3.reshape(1, 3 * ED))
    codebook_loss = (loss_sum[0, 0] / jnp.float32(B * CD)).reshape(())
    commitment_loss = codebook_loss * jnp.float32(BETA)
    total_vq = codebook_loss + commitment_loss
    return (subj_recon, rel_recon, obj_recon, codes,
            codebook_loss, commitment_loss, total_vq)

# --- scband reference (transcript-rebuilt; emitter-appended) ---
"""Pipeline reference for scband-proposition-vqvae-27668179321221 (READ-ONLY COPY).

The authoritative reference and input builder live on the scoring server;
editing this copy changes nothing except your own understanding.
"""

import jax, jax.numpy as jnp
import numpy as np

B = 16384
ED = 256
HD = 512
CD = 256
K = 8192
BETA = 0.25


def setup_inputs(seed: int = 0) -> dict:
    key = jax.random.key(seed)
    ks = jax.random.split(key, 16)
    s = 0.02
    inp = {
        "subj_emb": jax.random.normal(ks[0], (B, ED), dtype=jnp.float32),
        "rel_emb": jax.random.normal(ks[1], (B, ED), dtype=jnp.float32),
        "obj_emb": jax.random.normal(ks[2], (B, ED), dtype=jnp.float32),
        "enc_W1": jax.random.normal(ks[3], (3 * ED, HD), dtype=jnp.float32) * s,
        "enc_b1": jnp.zeros((HD,), jnp.float32),
        "enc_W2": jax.random.normal(ks[4], (HD, HD), dtype=jnp.float32) * s,
        "enc_b2": jnp.zeros((HD,), jnp.float32),
        "enc_W3": jax.random.normal(ks[5], (HD, CD), dtype=jnp.float32) * s,
        "enc_b3": jnp.zeros((CD,), jnp.float32),
        "codebook": jax.random.uniform(ks[6], (K, CD), dtype=jnp.float32, minval=-1.0 / K, maxval=1.0 / K),
        "dec_W1": jax.random.normal(ks[7], (CD, HD), dtype=jnp.float32) * s,
        "dec_b1": jnp.zeros((HD,), jnp.float32),
        "dec_W2": jax.random.normal(ks[8], (HD, HD), dtype=jnp.float32) * s,
        "dec_b2": jnp.zeros((HD,), jnp.float32),
        "dec_W3": jax.random.normal(ks[9], (HD, 3 * ED), dtype=jnp.float32) * s,
        "dec_b3": jnp.zeros((3 * ED,), jnp.float32),
    }
    return inp


def reference(subj_emb, rel_emb, obj_emb, enc_W1, enc_b1, enc_W2, enc_b2, enc_W3, enc_b3,
              codebook, dec_W1, dec_b1, dec_W2, dec_b2, dec_W3, dec_b3):
    # Encoder
    prop_vec = jnp.concatenate([subj_emb, rel_emb, obj_emb], axis=-1)
    h = jax.nn.relu(prop_vec @ enc_W1 + enc_b1)
    h = jax.nn.relu(h @ enc_W2 + enc_b2)
    z = h @ enc_W3 + enc_b3

    # VQ codebook quantization
    z_squared = jnp.sum(z ** 2, axis=1, keepdims=True)
    cb_squared = jnp.sum(codebook ** 2, axis=1)
    distances = z_squared + cb_squared - 2.0 * (z @ codebook.T)
    codes = jnp.argmin(distances, axis=1)
    z_q = jnp.take(codebook, codes, axis=0)

    codebook_loss = jnp.mean((jax.lax.stop_gradient(z_q) - z) ** 2)
    commitment_loss = jnp.mean((z_q - jax.lax.stop_gradient(z)) ** 2) * BETA
    total_vq = codebook_loss + commitment_loss

    # Straight-through estimator
    z_q_st = z + jax.lax.stop_gradient(z_q - z)

    # Decoder
    h = jax.nn.relu(z_q_st @ dec_W1 + dec_b1)
    h = jax.nn.relu(h @ dec_W2 + dec_b2)
    prop_out = h @ dec_W3 + dec_b3
    pv = prop_out.reshape(-1, 3, ED)
    subj_recon = pv[:, 0, :]
    rel_recon = pv[:, 1, :]
    obj_recon = pv[:, 2, :]
    return (subj_recon, rel_recon, obj_recon, codes, codebook_loss, commitment_loss, total_vq)

if __name__ == "__main__":
    import jax
    _d = setup_inputs()
    print(jax.jit(kernel)(*tuple(_d.values())))

</pallas_src>

<mosaic_0001>
#map = affine_map<(d0, d1) -> (0, 0)>
#map1 = affine_map<(d0, d1) -> (0)>
module attributes {stable_mosaic.version = 14 : i64} {
  func.func @_sc_gather(%arg0: i32, %arg1: i32, %arg2: memref<8192x256xf32, #tpu.memory_space<hbm>>, %arg3: memref<16384xi32, #tpu.memory_space<hbm>>, %arg4: memref<16384x256xf32, #tpu.memory_space<hbm>>, %arg5: memref<2x128xi32, #tpu.memory_space<vmem>>, %arg6: memref<2x128x256xf32, #tpu.memory_space<vmem>>, %arg7: memref<!tpu.dma_semaphore, #tpu.memory_space<semaphore_mem>>, %arg8: memref<!tpu.dma_semaphore, #tpu.memory_space<semaphore_mem>>) attributes {dimension_semantics = [#tpu.dimension_semantics<core_parallel>, #tpu.dimension_semantics<subcore_parallel>], iteration_bounds = array<i64: 2, 16>, scalar_prefetch = 0 : i64, scratch_operands = 4 : i64, tpu.core_type = #tpu.core_type<sc_vector_subcore>, window_params = [{transform_indices = #map}, {transform_indices = #map1}, {transform_indices = #map}]} {
    %mul3A = arith.constant 2 : i32
    %mul3A_0 = arith.muli %arg1, %mul3A : i32
    %add3A = arith.addi %mul3A_0, %arg0 : i32
    %mul3A_1 = arith.constant 512 : i32
    %mul3A_2 = arith.muli %add3A, %mul3A_1 : i32
    %add3A_3 = arith.constant 0 : i32
    %add3A_4 = arith.addi %mul3A_2, %add3A_3 : i32
    %run_scoped3A = arith.constant 0 : i32
    "tpu.region"() ({
      %run_scoped3A_220 = tpu.sem_alloc : memref<!tpu.dma_semaphore, #tpu.memory_space<semaphore_mem>>
      %dma_start3A_221 = arith.constant 0 : i32
      %dma_start3A_222 = tpu.memref_slice %arg5[%run_scoped3A, %dma_start3A_221] : memref<2x128xi32, #tpu.memory_space<vmem>> -> memref<1x128xi32, #tpu.memory_space<vmem>>
      %dma_start3A_223 = tpu.memref_squeeze %dma_start3A_222 : memref<1x128xi32, #tpu.memory_space<vmem>> -> memref<128xi32, #tpu.memory_space<vmem>>
      %dma_start3A_224 = tpu.memref_slice %arg3[%add3A_4] : memref<16384xi32, #tpu.memory_space<hbm>> -> memref<128xi32, #tpu.memory_space<hbm>>
      %dma_start3A_225 = arith.constant 0 : i32
      %dma_start3A_226 = tpu.memref_slice %arg5[%run_scoped3A, %dma_start3A_225] : memref<2x128xi32, #tpu.memory_space<vmem>> -> memref<1x128xi32, #tpu.memory_space<vmem>>
      %dma_start3A_227 = tpu.memref_squeeze %dma_start3A_226 : memref<1x128xi32, #tpu.memory_space<vmem>> -> memref<128xi32, #tpu.memory_space<vmem>>
      %dma_start3A_228 = tpu.memref_slice %arg3[%add3A_4] : memref<16384xi32, #tpu.memory_space<hbm>> -> memref<128xi32, #tpu.memory_space<hbm>>
      tpu.enqueue_dma source(%dma_start3A_228 : memref<128xi32, #tpu.memory_space<hbm>>) target(%dma_start3A_227 : memref<128xi32, #tpu.memory_space<vmem>>) target_semaphore(%run_scoped3A_220 : memref<!tpu.dma_semaphore, #tpu.memory_space<semaphore_mem>>)
      %dma_wait3A_229 = arith.constant 0 : i32
      %dma_wait3A_230 = tpu.memref_slice %arg5[%run_scoped3A, %dma_wait3A_229] : memref<2x128xi32, #tpu.memory_space<vmem>> -> memref<1x128xi32, #tpu.memory_space<vmem>>
      %dma_wait3A_231 = tpu.memref_squeeze %dma_wait3A_230 : memref<1x128xi32, #tpu.memory_space<vmem>> -> memref<128xi32, #tpu.memory_space<vmem>>
      %dma_wait3A_232 = tpu.memref_slice %arg3[%add3A_4] : memref<16384xi32, #tpu.memory_space<hbm>> -> memref<128xi32, #tpu.memory_space<hbm>>
      %dma_wait3A_233 = arith.constant 0 : i32
      %dma_wait3A_234 = tpu.memref_slice %arg5[%run_scoped3A, %dma_wait3A_233] : memref<2x128xi32, #tpu.memory_space<vmem>> -> memref<1x128xi32, #tpu.memory_space<vmem>>
      %dma_wait3A_235 = tpu.memref_squeeze %dma_wait3A_234 : memref<1x128xi32, #tpu.memory_space<vmem>> -> memref<128xi32, #tpu.memory_space<vmem>>
      %dma_wait3A_236 = tpu.memref_slice %arg3[%add3A_4] : memref<16384xi32, #tpu.memory_space<hbm>> -> memref<128xi32, #tpu.memory_space<hbm>>
      tpu.wait_dma2 semaphore(%run_scoped3A_220 : memref<!tpu.dma_semaphore, #tpu.memory_space<semaphore_mem>>) src(%dma_wait3A_236 : memref<128xi32, #tpu.memory_space<hbm>>) dst(%dma_wait3A_235 : memref<128xi32, #tpu.memory_space<vmem>>)
      tpu.yield
    }) : () -> ()
    %dma_start3A = arith.constant 0 : i32
    %dma_start3A_5 = arith.constant 0 : i32
    %dma_start3A_6 = arith.constant 0 : i32
    %dma_start3A_7 = arith.constant 0 : i32
    %dma_start3A_8 = tpu.memref_slice %arg6[%dma_start3A_5, %dma_start3A_6, %dma_start3A_7] : memref<2x128x256xf32, #tpu.memory_space<vmem>> -> memref<1x128x256xf32, #tpu.memory_space<vmem>>
    %dma_start3A_9 = tpu.memref_squeeze %dma_start3A_8 : memref<1x128x256xf32, #tpu.memory_space<vmem>> -> memref<128x256xf32, #tpu.memory_space<vmem>>
    %dma_start3A_10 = arith.constant 0 : i32
    %dma_start3A_11 = tpu.memref_slice %arg5[%dma_start3A, %dma_start3A_10] : memref<2x128xi32, #tpu.memory_space<vmem>> -> memref<1x128xi32, #tpu.memory_space<vmem>>
    %dma_start3A_12 = tpu.memref_squeeze %dma_start3A_11 : memref<1x128xi32, #tpu.memory_space<vmem>> -> memref<128xi32, #tpu.memory_space<vmem>>
    %dma_start3A_13 = arith.constant 0 : i32
    %dma_start3A_14 = arith.constant 0 : i32
    %dma_start3A_15 = tpu.memref_slice %arg2[%dma_start3A_13, %dma_start3A_14] : memref<8192x256xf32, #tpu.memory_space<hbm>> -> memref<8192x256xf32, #tpu.memory_space<hbm>>
    tpu.enqueue_indirect_dma source(%dma_start3A_15 : memref<8192x256xf32, #tpu.memory_space<hbm>>) target(%dma_start3A_9 : memref<128x256xf32, #tpu.memory_space<vmem>>) offsets(%dma_start3A_12 : memref<128xi32, #tpu.memory_space<vmem>>) semaphore(%arg7 : memref<!tpu.dma_semaphore, #tpu.memory_space<semaphore_mem>>)
    %add3A_16 = arith.constant 128 : i32
    %add3A_17 = arith.addi %mul3A_2, %add3A_16 : i32
    %run_scoped3A_18 = arith.constant 1 : i32
    "tpu.region"() ({
      %run_scoped3A_220 = tpu.sem_alloc : memref<!tpu.dma_semaphore, #tpu.memory_space<semaphore_mem>>
      %dma_start3A_221 = arith.constant 0 : i32
      %dma_start3A_222 = tpu.memref_slice %arg5[%run_scoped3A_18, %dma_start3A_221] : memref<2x128xi32, #tpu.memory_space<vmem>> -> memref<1x128xi32, #tpu.memory_space<vmem>>
      %dma_start3A_223 = tpu.memref_squeeze %dma_start3A_222 : memref<1x128xi32, #tpu.memory_space<vmem>> -> memref<128xi32, #tpu.memory_space<vmem>>
      %dma_start3A_224 = tpu.memref_slice %arg3[%add3A_17] : memref<16384xi32, #tpu.memory_space<hbm>> -> memref<128xi32, #tpu.memory_space<hbm>>
      %dma_start3A_225 = arith.constant 0 : i32
      %dma_start3A_226 = tpu.memref_slice %arg5[%run_scoped3A_18, %dma_start3A_225] : memref<2x128xi32, #tpu.memory_space<vmem>> -> memref<1x128xi32, #tpu.memory_space<vmem>>
      %dma_start3A_227 = tpu.memref_squeeze %dma_start3A_226 : memref<1x128xi32, #tpu.memory_space<vmem>> -> memref<128xi32, #tpu.memory_space<vmem>>
      %dma_start3A_228 = tpu.memref_slice %arg3[%add3A_17] : memref<16384xi32, #tpu.memory_space<hbm>> -> memref<128xi32, #tpu.memory_space<hbm>>
      tpu.enqueue_dma source(%dma_start3A_228 : memref<128xi32, #tpu.memory_space<hbm>>) target(%dma_start3A_227 : memref<128xi32, #tpu.memory_space<vmem>>) target_semaphore(%run_scoped3A_220 : memref<!tpu.dma_semaphore, #tpu.memory_space<semaphore_mem>>)
      %dma_wait3A_229 = arith.constant 0 : i32
      %dma_wait3A_230 = tpu.memref_slice %arg5[%run_scoped3A_18, %dma_wait3A_229] : memref<2x128xi32, #tpu.memory_space<vmem>> -> memref<1x128xi32, #tpu.memory_space<vmem>>
      %dma_wait3A_231 = tpu.memref_squeeze %dma_wait3A_230 : memref<1x128xi32, #tpu.memory_space<vmem>> -> memref<128xi32, #tpu.memory_space<vmem>>
      %dma_wait3A_232 = tpu.memref_slice %arg3[%add3A_17] : memref<16384xi32, #tpu.memory_space<hbm>> -> memref<128xi32, #tpu.memory_space<hbm>>
      %dma_wait3A_233 = arith.constant 0 : i32
      %dma_wait3A_234 = tpu.memref_slice %arg5[%run_scoped3A_18, %dma_wait3A_233] : memref<2x128xi32, #tpu.memory_space<vmem>> -> memref<1x128xi32, #tpu.memory_space<vmem>>
      %dma_wait3A_235 = tpu.memref_squeeze %dma_wait3A_234 : memref<1x128xi32, #tpu.memory_space<vmem>> -> memref<128xi32, #tpu.memory_space<vmem>>
      %dma_wait3A_236 = tpu.memref_slice %arg3[%add3A_17] : memref<16384xi32, #tpu.memory_space<hbm>> -> memref<128xi32, #tpu.memory_space<hbm>>
      tpu.wait_dma2 semaphore(%run_scoped3A_220 : memref<!tpu.dma_semaphore, #tpu.memory_space<semaphore_mem>>) src(%dma_wait3A_236 : memref<128xi32, #tpu.memory_space<hbm>>) dst(%dma_wait3A_235 : memref<128xi32, #tpu.memory_space<vmem>>)
      tpu.yield
    }) : () -> ()
    %dma_start3A_19 = arith.constant 1 : i32
    %dma_start3A_20 = arith.constant 1 : i32
    %dma_start3A_21 = arith.constant 0 : i32
    %dma_start3A_22 = arith.constant 0 : i32
    %dma_start3A_23 = tpu.memref_slice %arg6[%dma_start3A_20, %dma_start3A_21, %dma_start3A_22] : memref<2x128x256xf32, #tpu.memory_space<vmem>> -> memref<1x128x256xf32, #tpu.memory_space<vmem>>
    %dma_start3A_24 = tpu.memref_squeeze %dma_start3A_23 : memref<1x128x256xf32, #tpu.memory_space<vmem>> -> memref<128x256xf32, #tpu.memory_space<vmem>>
    %dma_start3A_25 = arith.constant 0 : i32
    %dma_start3A_26 = tpu.memref_slice %arg5[%dma_start3A_19, %dma_start3A_25] : memref<2x128xi32, #tpu.memory_space<vmem>> -> memref<1x128xi32, #tpu.memory_space<vmem>>
    %dma_start3A_27 = tpu.memref_squeeze %dma_start3A_26 : memref<1x128xi32, #tpu.memory_space<vmem>> -> memref<128xi32, #tpu.memory_space<vmem>>
    %dma_start3A_28 = arith.constant 0 : i32
    %dma_start3A_29 = arith.constant 0 : i32
    %dma_start3A_30 = tpu.memref_slice %arg2[%dma_start3A_28, %dma_start3A_29] : memref<8192x256xf32, #tpu.memory_space<hbm>> -> memref<8192x256xf32, #tpu.memory_space<hbm>>
    tpu.enqueue_indirect_dma source(%dma_start3A_30 : memref<8192x256xf32, #tpu.memory_space<hbm>>) target(%dma_start3A_24 : memref<128x256xf32, #tpu.memory_space<vmem>>) offsets(%dma_start3A_27 : memref<128xi32, #tpu.memory_space<vmem>>) semaphore(%arg7 : memref<!tpu.dma_semaphore, #tpu.memory_space<semaphore_mem>>)
    %dma_wait3A = arith.constant 0 : i32
    %dma_wait3A_31 = arith.constant 0 : i32
    %dma_wait3A_32 = arith.constant 0 : i32
    %dma_wait3A_33 = arith.constant 0 : i32
    %dma_wait3A_34 = tpu.memref_slice %arg6[%dma_wait3A_31, %dma_wait3A_32, %dma_wait3A_33] : memref<2x128x256xf32, #tpu.memory_space<vmem>> -> memref<1x128x256xf32, #tpu.memory_space<vmem>>
    %dma_wait3A_35 = tpu.memref_squeeze %dma_wait3A_34 : memref<1x128x256xf32, #tpu.memory_space<vmem>> -> memref<128x256xf32, #tpu.memory_space<vmem>>
    %dma_wait3A_36 = arith.constant 0 : i32
    %dma_wait3A_37 = tpu.memref_slice %arg5[%dma_wait3A, %dma_wait3A_36] : memref<2x128xi32, #tpu.memory_space<vmem>> -> memref<1x128xi32, #tpu.memory_space<vmem>>
    %dma_wait3A_38 = tpu.memref_squeeze %dma_wait3A_37 : memref<1x128xi32, #tpu.memory_space<vmem>> -> memref<128xi32, #tpu.memory_space<vmem>>
    %dma_wait3A_39 = arith.constant 0 : i32
    %dma_wait3A_40 = arith.constant 0 : i32
    %dma_wait3A_41 = tpu.memref_slice %arg2[%dma_wait3A_39, %dma_wait3A_40] : memref<8192x256xf32, #tpu.memory_space<hbm>> -> memref<8192x256xf32, #tpu.memory_space<hbm>>
    tpu.wait_indirect_dma semaphore(%arg7 : memref<!tpu.dma_semaphore, #tpu.memory_space<semaphore_mem>>) src(%dma_wait3A_41 : memref<8192x256xf32, #tpu.memory_space<hbm>>) dst(%dma_wait3A_35 : memref<128x256xf32, #tpu.memory_space<vmem>>)
    %add3A_42 = arith.constant 0 : i32
    %add3A_43 = arith.addi %mul3A_2, %add3A_42 : i32
    %dma_start3A_44 = arith.constant 0 : i32
    %dma_start3A_45 = arith.constant 0 : i32
    %dma_start3A_46 = arith.constant 0 : i32
    %dma_start3A_47 = tpu.memref_slice %arg6[%dma_start3A_44, %dma_start3A_45, %dma_start3A_46] : memref<2x128x256xf32, #tpu.memory_space<vmem>> -> memref<1x128x256xf32, #tpu.memory_space<vmem>>
    %dma_start3A_48 = tpu.memref_squeeze %dma_start3A_47 : memref<1x128x256xf32, #tpu.memory_space<vmem>> -> memref<128x256xf32, #tpu.memory_space<vmem>>
    %dma_start3A_49 = arith.constant 0 : i32
    %dma_start3A_50 = tpu.memref_slice %arg4[%add3A_43, %dma_start3A_49] : memref<16384x256xf32, #tpu.memory_space<hbm>> -> memref<128x256xf32, #tpu.memory_space<hbm>>
    %dma_start3A_51 = arith.constant 0 : i32
    %dma_start3A_52 = tpu.memref_slice %arg4[%add3A_43, %dma_start3A_51] : memref<16384x256xf32, #tpu.memory_space<hbm>> -> memref<128x256xf32, #tpu.memory_space<hbm>>
    %dma_start3A_53 = arith.constant 0 : i32
    %dma_start3A_54 = arith.constant 0 : i32
    %dma_start3A_55 = tpu.memref_slice %arg6[%dma_start3A_44, %dma_start3A_53, %dma_start3A_54] : memref<2x128x256xf32, #tpu.memory_space<vmem>> -> memref<1x128x256xf32, #tpu.memory_space<vmem>>
    %dma_start3A_56 = tpu.memref_squeeze %dma_start3A_55 : memref<1x128x256xf32, #tpu.memory_space<vmem>> -> memref<128x256xf32, #tpu.memory_space<vmem>>
    tpu.enqueue_dma source(%dma_start3A_56 : memref<128x256xf32, #tpu.memory_space<vmem>>) target(%dma_start3A_52 : memref<128x256xf32, #tpu.memory_space<hbm>>) target_semaphore(%arg8 : memref<!tpu.dma_semaphore, #tpu.memory_space<semaphore_mem>>)
    %dma_wait3A_57 = arith.constant 0 : i32
    %dma_wait3A_58 = arith.constant 0 : i32
    %dma_wait3A_59 = arith.constant 0 : i32
    %dma_wait3A_60 = tpu.memref_slice %arg6[%dma_wait3A_57, %dma_wait3A_58, %dma_wait3A_59] : memref<2x128x256xf32, #tpu.memory_space<vmem>> -> memref<1x128x256xf32, #tpu.memory_space<vmem>>
    %dma_wait3A_61 = tpu.memref_squeeze %dma_wait3A_60 : memref<1x128x256xf32, #tpu.memory_space<vmem>> -> memref<128x256xf32, #tpu.memory_space<vmem>>
    %dma_wait3A_62 = arith.constant 0 : i32
    %dma_wait3A_63 = tpu.memref_slice %arg4[%add3A_43, %dma_wait3A_62] : memref<16384x256xf32, #tpu.memory_space<hbm>> -> memref<128x256xf32, #tpu.memory_space<hbm>>
    %dma_wait3A_64 = arith.constant 0 : i32
    %dma_wait3A_65 = tpu.memref_slice %arg4[%add3A_43, %dma_wait3A_64] : memref<16384x256xf32, #tpu.memory_space<hbm>> -> memref<128x256xf32, #tpu.memory_space<hbm>>
    %dma_wait3A_66 = arith.constant 0 : i32
    %dma_wait3A_67 = arith.constant 0 : i32
    %dma_wait3A_68 = tpu.memref_slice %arg6[%dma_wait3A_57, %dma_wait3A_66, %dma_wait3A_67] : memref<2x128x256xf32, #tpu.memory_space<vmem>> -> memref<1x128x256xf32, #tpu.memory_space<vmem>>
    %dma_wait3A_69 = tpu.memref_squeeze %dma_wait3A_68 : memref<1x128x256xf32, #tpu.memory_space<vmem>> -> memref<128x256xf32, #tpu.memory_space<vmem>>
    tpu.wait_dma2 semaphore(%arg8 : memref<!tpu.dma_semaphore, #tpu.memory_space<semaphore_mem>>) src(%dma_wait3A_69 : memref<128x256xf32, #tpu.memory_space<vmem>>) dst(%dma_wait3A_65 : memref<128x256xf32, #tpu.memory_space<hbm>>)
    %add3A_70 = arith.constant 256 : i32
    %add3A_71 = arith.addi %mul3A_2, %add3A_70 : i32
    %run_scoped3A_72 = arith.constant 0 : i32
    "tpu.region"() ({
      %run_scoped3A_220 = tpu.sem_alloc : memref<!tpu.dma_semaphore, #tpu.memory_space<semaphore_mem>>
      %dma_start3A_221 = arith.constant 0 : i32
      %dma_start3A_222 = tpu.memref_slice %arg5[%run_scoped3A_72, %dma_start3A_221] : memref<2x128xi32, #tpu.memory_space<vmem>> -> memref<1x128xi32, #tpu.memory_space<vmem>>
      %dma_start3A_223 = tpu.memref_squeeze %dma_start3A_222 : memref<1x128xi32, #tpu.memory_space<vmem>> -> memref<128xi32, #tpu.memory_space<vmem>>
      %dma_start3A_224 = tpu.memref_slice %arg3[%add3A_71] : memref<16384xi32, #tpu.memory_space<hbm>> -> memref<128xi32, #tpu.memory_space<hbm>>
      %dma_start3A_225 = arith.constant 0 : i32
      %dma_start3A_226 = tpu.memref_slice %arg5[%run_scoped3A_72, %dma_start3A_225] : memref<2x128xi32, #tpu.memory_space<vmem>> -> memref<1x128xi32, #tpu.memory_space<vmem>>
      %dma_start3A_227 = tpu.memref_squeeze %dma_start3A_226 : memref<1x128xi32, #tpu.memory_space<vmem>> -> memref<128xi32, #tpu.memory_space<vmem>>
      %dma_start3A_228 = tpu.memref_slice %arg3[%add3A_71] : memref<16384xi32, #tpu.memory_space<hbm>> -> memref<128xi32, #tpu.memory_space<hbm>>
      tpu.enqueue_dma source(%dma_start3A_228 : memref<128xi32, #tpu.memory_space<hbm>>) target(%dma_start3A_227 : memref<128xi32, #tpu.memory_space<vmem>>) target_semaphore(%run_scoped3A_220 : memref<!tpu.dma_semaphore, #tpu.memory_space<semaphore_mem>>)
      %dma_wait3A_229 = arith.constant 0 : i32
      %dma_wait3A_230 = tpu.memref_slice %arg5[%run_scoped3A_72, %dma_wait3A_229] : memref<2x128xi32, #tpu.memory_space<vmem>> -> memref<1x128xi32, #tpu.memory_space<vmem>>
      %dma_wait3A_231 = tpu.memref_squeeze %dma_wait3A_230 : memref<1x128xi32, #tpu.memory_space<vmem>> -> memref<128xi32, #tpu.memory_space<vmem>>
      %dma_wait3A_232 = tpu.memref_slice %arg3[%add3A_71] : memref<16384xi32, #tpu.memory_space<hbm>> -> memref<128xi32, #tpu.memory_space<hbm>>
      %dma_wait3A_233 = arith.constant 0 : i32
      %dma_wait3A_234 = tpu.memref_slice %arg5[%run_scoped3A_72, %dma_wait3A_233] : memref<2x128xi32, #tpu.memory_space<vmem>> -> memref<1x128xi32, #tpu.memory_space<vmem>>
      %dma_wait3A_235 = tpu.memref_squeeze %dma_wait3A_234 : memref<1x128xi32, #tpu.memory_space<vmem>> -> memref<128xi32, #tpu.memory_space<vmem>>
      %dma_wait3A_236 = tpu.memref_slice %arg3[%add3A_71] : memref<16384xi32, #tpu.memory_space<hbm>> -> memref<128xi32, #tpu.memory_space<hbm>>
      tpu.wait_dma2 semaphore(%run_scoped3A_220 : memref<!tpu.dma_semaphore, #tpu.memory_space<semaphore_mem>>) src(%dma_wait3A_236 : memref<128xi32, #tpu.memory_space<hbm>>) dst(%dma_wait3A_235 : memref<128xi32, #tpu.memory_space<vmem>>)
      tpu.yield
    }) : () -> ()
    %dma_start3A_73 = arith.constant 0 : i32
    %dma_start3A_74 = arith.constant 0 : i32
    %dma_start3A_75 = arith.constant 0 : i32
    %dma_start3A_76 = arith.constant 0 : i32
    %dma_start3A_77 = tpu.memref_slice %arg6[%dma_start3A_74, %dma_start3A_75, %dma_start3A_76] : memref<2x128x256xf32, #tpu.memory_space<vmem>> -> memref<1x128x256xf32, #tpu.memory_space<vmem>>
    %dma_start3A_78 = tpu.memref_squeeze %dma_start3A_77 : memref<1x128x256xf32, #tpu.memory_space<vmem>> -> memref<128x256xf32, #tpu.memory_space<vmem>>
    %dma_start3A_79 = arith.constant 0 : i32
    %dma_start3A_80 = tpu.memref_slice %arg5[%dma_start3A_73, %dma_start3A_79] : memref<2x128xi32, #tpu.memory_space<vmem>> -> memref<1x128xi32, #tpu.memory_space<vmem>>
    %dma_start3A_81 = tpu.memref_squeeze %dma_start3A_80 : memref<1x128xi32, #tpu.memory_space<vmem>> -> memref<128xi32, #tpu.memory_space<vmem>>
    %dma_start3A_82 = arith.constant 0 : i32
    %dma_start3A_83 = arith.constant 0 : i32
    %dma_start3A_84 = tpu.memref_slice %arg2[%dma_start3A_82, %dma_start3A_83] : memref<8192x256xf32, #tpu.memory_space<hbm>> -> memref<8192x256xf32, #tpu.memory_space<hbm>>
    tpu.enqueue_indirect_dma source(%dma_start3A_84 : memref<8192x256xf32, #tpu.memory_space<hbm>>) target(%dma_start3A_78 : memref<128x256xf32, #tpu.memory_space<vmem>>) offsets(%dma_start3A_81 : memref<128xi32, #tpu.memory_space<vmem>>) semaphore(%arg7 : memref<!tpu.dma_semaphore, #tpu.memory_space<semaphore_mem>>)
    %dma_wait3A_85 = arith.constant 1 : i32
    %dma_wait3A_86 = arith.constant 1 : i32
    %dma_wait3A_87 = arith.constant 0 : i32
    %dma_wait3A_88 = arith.constant 0 : i32
    %dma_wait3A_89 = tpu.memref_slice %arg6[%dma_wait3A_86, %dma_wait3A_87, %dma_wait3A_88] : memref<2x128x256xf32, #tpu.memory_space<vmem>> -> memref<1x128x256xf32, #tpu.memory_space<vmem>>
    %dma_wait3A_90 = tpu.memref_squeeze %dma_wait3A_89 : memref<1x128x256xf32, #tpu.memory_space<vmem>> -> memref<128x256xf32, #tpu.memory_space<vmem>>
    %dma_wait3A_91 = arith.constant 0 : i32
    %dma_wait3A_92 = tpu.memref_slice %arg5[%dma_wait3A_85, %dma_wait3A_91] : memref<2x128xi32, #tpu.memory_space<vmem>> -> memref<1x128xi32, #tpu.memory_space<vmem>>
    %dma_wait3A_93 = tpu.memref_squeeze %dma_wait3A_92 : memref<1x128xi32, #tpu.memory_space<vmem>> -> memref<128xi32, #tpu.memory_space<vmem>>
    %dma_wait3A_94 = arith.constant 0 : i32
    %dma_wait3A_95 = arith.constant 0 : i32
    %dma_wait3A_96 = tpu.memref_slice %arg2[%dma_wait3A_94, %dma_wait3A_95] : memref<8192x256xf32, #tpu.memory_space<hbm>> -> memref<8192x256xf32, #tpu.memory_space<hbm>>
    tpu.wait_indirect_dma semaphore(%arg7 : memref<!tpu.dma_semaphore, #tpu.memory_space<semaphore_mem>>) src(%dma_wait3A_96 : memref<8192x256xf32, #tpu.memory_space<hbm>>) dst(%dma_wait3A_90 : memref<128x256xf32, #tpu.memory_space<vmem>>)
    %add3A_97 = arith.constant 128 : i32
    %add3A_98 = arith.addi %mul3A_2, %add3A_97 : i32
    %dma_start3A_99 = arith.constant 1 : i32
    %dma_start3A_100 = arith.constant 0 : i32
    %dma_start3A_101 = arith.constant 0 : i32
    %dma_start3A_102 = tpu.memref_slice %arg6[%dma_start3A_99, %dma_start3A_100, %dma_start3A_101] : memref<2x128x256xf32, #tpu.memory_space<vmem>> -> memref<1x128x256xf32, #tpu.memory_space<vmem>>
    %dma_start3A_103 = tpu.memref_squeeze %dma_start3A_102 : memref<1x128x256xf32, #tpu.memory_space<vmem>> -> memref<128x256xf32, #tpu.memory_space<vmem>>
    %dma_start3A_104 = arith.constant 0 : i32
    %dma_start3A_105 = tpu.memref_slice %arg4[%add3A_98, %dma_start3A_104] : memref<16384x256xf32, #tpu.memory_space<hbm>> -> memref<128x256xf32, #tpu.memory_space<hbm>>
    %dma_start3A_106 = arith.constant 0 : i32
    %dma_start3A_107 = tpu.memref_slice %arg4[%add3A_98, %dma_start3A_106] : memref<16384x256xf32, #tpu.memory_space<hbm>> -> memref<128x256xf32, #tpu.memory_space<hbm>>
    %dma_start3A_108 = arith.constant 0 : i32
    %dma_start3A_109 = arith.constant 0 : i32
    %dma_start3A_110 = tpu.memref_slice %arg6[%dma_start3A_99, %dma_start3A_108, %dma_start3A_109] : memref<2x128x256xf32, #tpu.memory_space<vmem>> -> memref<1x128x256xf32, #tpu.memory_space<vmem>>
    %dma_start3A_111 = tpu.memref_squeeze %dma_start3A_110 : memref<1x128x256xf32, #tpu.memory_space<vmem>> -> memref<128x256xf32, #tpu.memory_space<vmem>>
    tpu.enqueue_dma source(%dma_start3A_111 : memref<128x256xf32, #tpu.memory_space<vmem>>) target(%dma_start3A_107 : memref<128x256xf32, #tpu.memory_space<hbm>>) target_semaphore(%arg8 : memref<!tpu.dma_semaphore, #tpu.memory_space<semaphore_mem>>)
    %dma_wait3A_112 = arith.constant 1 : i32
    %dma_wait3A_113 = arith.constant 0 : i32
    %dma_wait3A_114 = arith.constant 0 : i32
    %dma_wait3A_115 = tpu.memref_slice %arg6[%dma_wait3A_112, %dma_wait3A_113, %dma_wait3A_114] : memref<2x128x256xf32, #tpu.memory_space<vmem>> -> memref<1x128x256xf32, #tpu.memory_space<vmem>>
    %dma_wait3A_116 = tpu.memref_squeeze %dma_wait3A_115 : memref<1x128x256xf32, #tpu.memory_space<vmem>> -> memref<128x256xf32, #tpu.memory_space<vmem>>
    %dma_wait3A_117 = arith.constant 0 : i32
    %dma_wait3A_118 = tpu.memref_slice %arg4[%add3A_98, %dma_wait3A_117] : memref<16384x256xf32, #tpu.memory_space<hbm>> -> memref<128x256xf32, #tpu.memory_space<hbm>>
    %dma_wait3A_119 = arith.constant 0 : i32
    %dma_wait3A_120 = tpu.memref_slice %arg4[%add3A_98, %dma_wait3A_119] : memref<16384x256xf32, #tpu.memory_space<hbm>> -> memref<128x256xf32, #tpu.memory_space<hbm>>
    %dma_wait3A_121 = arith.constant 0 : i32
    %dma_wait3A_122 = arith.constant 0 : i32
    %dma_wait3A_123 = tpu.memref_slice %arg6[%dma_wait3A_112, %dma_wait3A_121, %dma_wait3A_122] : memref<2x128x256xf32, #tpu.memory_space<vmem>> -> memref<1x128x256xf32, #tpu.memory_space<vmem>>
    %dma_wait3A_124 = tpu.memref_squeeze %dma_wait3A_123 : memref<1x128x256xf32, #tpu.memory_space<vmem>> -> memref<128x256xf32, #tpu.memory_space<vmem>>
    tpu.wait_dma2 semaphore(%arg8 : memref<!tpu.dma_semaphore, #tpu.memory_space<semaphore_mem>>) src(%dma_wait3A_124 : memref<128x256xf32, #tpu.memory_space<vmem>>) dst(%dma_wait3A_120 : memref<128x256xf32, #tpu.memory_space<hbm>>)
    %add3A_125 = arith.constant 384 : i32
    %add3A_126 = arith.addi %mul3A_2, %add3A_125 : i32
    %run_scoped3A_127 = arith.constant 1 : i32
    "tpu.region"() ({
      %run_scoped3A_220 = tpu.sem_alloc : memref<!tpu.dma_semaphore, #tpu.memory_space<semaphore_mem>>
      %dma_start3A_221 = arith.constant 0 : i32
      %dma_start3A_222 = tpu.memref_slice %arg5[%run_scoped3A_127, %dma_start3A_221] : memref<2x128xi32, #tpu.memory_space<vmem>> -> memref<1x128xi32, #tpu.memory_space<vmem>>
      %dma_start3A_223 = tpu.memref_squeeze %dma_start3A_222 : memref<1x128xi32, #tpu.memory_space<vmem>> -> memref<128xi32, #tpu.memory_space<vmem>>
      %dma_start3A_224 = tpu.memref_slice %arg3[%add3A_126] : memref<16384xi32, #tpu.memory_space<hbm>> -> memref<128xi32, #tpu.memory_space<hbm>>
      %dma_start3A_225 = arith.constant 0 : i32
      %dma_start3A_226 = tpu.memref_slice %arg5[%run_scoped3A_127, %dma_start3A_225] : memref<2x128xi32, #tpu.memory_space<vmem>> -> memref<1x128xi32, #tpu.memory_space<vmem>>
      %dma_start3A_227 = tpu.memref_squeeze %dma_start3A_226 : memref<1x128xi32, #tpu.memory_space<vmem>> -> memref<128xi32, #tpu.memory_space<vmem>>
      %dma_start3A_228 = tpu.memref_slice %arg3[%add3A_126] : memref<16384xi32, #tpu.memory_space<hbm>> -> memref<128xi32, #tpu.memory_space<hbm>>
      tpu.enqueue_dma source(%dma_start3A_228 : memref<128xi32, #tpu.memory_space<hbm>>) target(%dma_start3A_227 : memref<128xi32, #tpu.memory_space<vmem>>) target_semaphore(%run_scoped3A_220 : memref<!tpu.dma_semaphore, #tpu.memory_space<semaphore_mem>>)
      %dma_wait3A_229 = arith.constant 0 : i32
      %dma_wait3A_230 = tpu.memref_slice %arg5[%run_scoped3A_127, %dma_wait3A_229] : memref<2x128xi32, #tpu.memory_space<vmem>> -> memref<1x128xi32, #tpu.memory_space<vmem>>
      %dma_wait3A_231 = tpu.memref_squeeze %dma_wait3A_230 : memref<1x128xi32, #tpu.memory_space<vmem>> -> memref<128xi32, #tpu.memory_space<vmem>>
      %dma_wait3A_232 = tpu.memref_slice %arg3[%add3A_126] : memref<16384xi32, #tpu.memory_space<hbm>> -> memref<128xi32, #tpu.memory_space<hbm>>
      %dma_wait3A_233 = arith.constant 0 : i32
      %dma_wait3A_234 = tpu.memref_slice %arg5[%run_scoped3A_127, %dma_wait3A_233] : memref<2x128xi32, #tpu.memory_space<vmem>> -> memref<1x128xi32, #tpu.memory_space<vmem>>
      %dma_wait3A_235 = tpu.memref_squeeze %dma_wait3A_234 : memref<1x128xi32, #tpu.memory_space<vmem>> -> memref<128xi32, #tpu.memory_space<vmem>>
      %dma_wait3A_236 = tpu.memref_slice %arg3[%add3A_126] : memref<16384xi32, #tpu.memory_space<hbm>> -> memref<128xi32, #tpu.memory_space<hbm>>
      tpu.wait_dma2 semaphore(%run_scoped3A_220 : memref<!tpu.dma_semaphore, #tpu.memory_space<semaphore_mem>>) src(%dma_wait3A_236 : memref<128xi32, #tpu.memory_space<hbm>>) dst(%dma_wait3A_235 : memref<128xi32, #tpu.memory_space<vmem>>)
      tpu.yield
    }) : () -> ()
    %dma_start3A_128 = arith.constant 1 : i32
    %dma_start3A_129 = arith.constant 1 : i32
    %dma_start3A_130 = arith.constant 0 : i32
    %dma_start3A_131 = arith.constant 0 : i32
    %dma_start3A_132 = tpu.memref_slice %arg6[%dma_start3A_129, %dma_start3A_130, %dma_start3A_131] : memref<2x128x256xf32, #tpu.memory_space<vmem>> -> memref<1x128x256xf32, #tpu.memory_space<vmem>>
    %dma_start3A_133 = tpu.memref_squeeze %dma_start3A_132 : memref<1x128x256xf32, #tpu.memory_space<vmem>> -> memref<128x256xf32, #tpu.memory_space<vmem>>
    %dma_start3A_134 = arith.constant 0 : i32
    %dma_start3A_135 = tpu.memref_slice %arg5[%dma_start3A_128, %dma_start3A_134] : memref<2x128xi32, #tpu.memory_space<vmem>> -> memref<1x128xi32, #tpu.memory_space<vmem>>
    %dma_start3A_136 = tpu.memref_squeeze %dma_start3A_135 : memref<1x128xi32, #tpu.memory_space<vmem>> -> memref<128xi32, #tpu.memory_space<vmem>>
    %dma_start3A_137 = arith.constant 0 : i32
    %dma_start3A_138 = arith.constant 0 : i32
    %dma_start3A_139 = tpu.memref_slice %arg2[%dma_start3A_137, %dma_start3A_138] : memref<8192x256xf32, #tpu.memory_space<hbm>> -> memref<8192x256xf32, #tpu.memory_space<hbm>>
    tpu.enqueue_indirect_dma source(%dma_start3A_139 : memref<8192x256xf32, #tpu.memory_space<hbm>>) target(%dma_start3A_133 : memref<128x256xf32, #tpu.memory_space<vmem>>) offsets(%dma_start3A_136 : memref<128xi32, #tpu.memory_space<vmem>>) semaphore(%arg7 : memref<!tpu.dma_semaphore, #tpu.memory_space<semaphore_mem>>)
    %dma_wait3A_140 = arith.constant 0 : i32
    %dma_wait3A_141 = arith.constant 0 : i32
    %dma_wait3A_142 = arith.constant 0 : i32
    %dma_wait3A_143 = arith.constant 0 : i32
    %dma_wait3A_144 = tpu.memref_slice %arg6[%dma_wait3A_141, %dma_wait3A_142, %dma_wait3A_143] : memref<2x128x256xf32, #tpu.memory_space<vmem>> -> memref<1x128x256xf32, #tpu.memory_space<vmem>>
    %dma_wait3A_145 = tpu.memref_squeeze %dma_wait3A_144 : memref<1x128x256xf32, #tpu.memory_space<vmem>> -> memref<128x256xf32, #tpu.memory_space<vmem>>
    %dma_wait3A_146 = arith.constant 0 : i32
    %dma_wait3A_147 = tpu.memref_slice %arg5[%dma_wait3A_140, %dma_wait3A_146] : memref<2x128xi32, #tpu.memory_space<vmem>> -> memref<1x128xi32, #tpu.memory_space<vmem>>
    %dma_wait3A_148 = tpu.memref_squeeze %dma_wait3A_147 : memref<1x128xi32, #tpu.memory_space<vmem>> -> memref<128xi32, #tpu.memory_space<vmem>>
    %dma_wait3A_149 = arith.constant 0 : i32
    %dma_wait3A_150 = arith.constant 0 : i32
    %dma_wait3A_151 = tpu.memref_slice %arg2[%dma_wait3A_149, %dma_wait3A_150] : memref<8192x256xf32, #tpu.memory_space<hbm>> -> memref<8192x256xf32, #tpu.memory_space<hbm>>
    tpu.wait_indirect_dma semaphore(%arg7 : memref<!tpu.dma_semaphore, #tpu.memory_space<semaphore_mem>>) src(%dma_wait3A_151 : memref<8192x256xf32, #tpu.memory_space<hbm>>) dst(%dma_wait3A_145 : memref<128x256xf32, #tpu.memory_space<vmem>>)
    %add3A_152 = arith.constant 256 : i32
    %add3A_153 = arith.addi %mul3A_2, %add3A_152 : i32
    %dma_start3A_154 = arith.constant 0 : i32
    %dma_start3A_155 = arith.constant 0 : i32
    %dma_start3A_156 = arith.constant 0 : i32
    %dma_start3A_157 = tpu.memref_slice %arg6[%dma_start3A_154, %dma_start3A_155, %dma_start3A_156] : memref<2x128x256xf32, #tpu.memory_space<vmem>> -> memref<1x128x256xf32, #tpu.memory_space<vmem>>
    %dma_start3A_158 = tpu.memref_squeeze %dma_start3A_157 : memref<1x128x256xf32, #tpu.memory_space<vmem>> -> memref<128x256xf32, #tpu.memory_space<vmem>>
    %dma_start3A_159 = arith.constant 0 : i32
    %dma_start3A_160 = tpu.memref_slice %arg4[%add3A_153, %dma_start3A_159] : memref<16384x256xf32, #tpu.memory_space<hbm>> -> memref<128x256xf32, #tpu.memory_space<hbm>>
    %dma_start3A_161 = arith.constant 0 : i32
    %dma_start3A_162 = tpu.memref_slice %arg4[%add3A_153, %dma_start3A_161] : memref<16384x256xf32, #tpu.memory_space<hbm>> -> memref<128x256xf32, #tpu.memory_space<hbm>>
    %dma_start3A_163 = arith.constant 0 : i32
    %dma_start3A_164 = arith.constant 0 : i32
    %dma_start3A_165 = tpu.memref_slice %arg6[%dma_start3A_154, %dma_start3A_163, %dma_start3A_164] : memref<2x128x256xf32, #tpu.memory_space<vmem>> -> memref<1x128x256xf32, #tpu.memory_space<vmem>>
    %dma_start3A_166 = tpu.memref_squeeze %dma_start3A_165 : memref<1x128x256xf32, #tpu.memory_space<vmem>> -> memref<128x256xf32, #tpu.memory_space<vmem>>
    tpu.enqueue_dma source(%dma_start3A_166 : memref<128x256xf32, #tpu.memory_space<vmem>>) target(%dma_start3A_162 : memref<128x256xf32, #tpu.memory_space<hbm>>) target_semaphore(%arg8 : memref<!tpu.dma_semaphore, #tpu.memory_space<semaphore_mem>>)
    %dma_wait3A_167 = arith.constant 1 : i32
    %dma_wait3A_168 = arith.constant 1 : i32
    %dma_wait3A_169 = arith.constant 0 : i32
    %dma_wait3A_170 = arith.constant 0 : i32
    %dma_wait3A_171 = tpu.memref_slice %arg6[%dma_wait3A_168, %dma_wait3A_169, %dma_wait3A_170] : memref<2x128x256xf32, #tpu.memory_space<vmem>> -> memref<1x128x256xf32, #tpu.memory_space<vmem>>
    %dma_wait3A_172 = tpu.memref_squeeze %dma_wait3A_171 : memref<1x128x256xf32, #tpu.memory_space<vmem>> -> memref<128x256xf32, #tpu.memory_space<vmem>>
    %dma_wait3A_173 = arith.constant 0 : i32
    %dma_wait3A_174 = tpu.memref_slice %arg5[%dma_wait3A_167, %dma_wait3A_173] : memref<2x128xi32, #tpu.memory_space<vmem>> -> memref<1x128xi32, #tpu.memory_space<vmem>>
    %dma_wait3A_175 = tpu.memref_squeeze %dma_wait3A_174 : memref<1x128xi32, #tpu.memory_space<vmem>> -> memref<128xi32, #tpu.memory_space<vmem>>
    %dma_wait3A_176 = arith.constant 0 : i32
    %dma_wait3A_177 = arith.constant 0 : i32
    %dma_wait3A_178 = tpu.memref_slice %arg2[%dma_wait3A_176, %dma_wait3A_177] : memref<8192x256xf32, #tpu.memory_space<hbm>> -> memref<8192x256xf32, #tpu.memory_space<hbm>>
    tpu.wait_indirect_dma semaphore(%arg7 : memref<!tpu.dma_semaphore, #tpu.memory_space<semaphore_mem>>) src(%dma_wait3A_178 : memref<8192x256xf32, #tpu.memory_space<hbm>>) dst(%dma_wait3A_172 : memref<128x256xf32, #tpu.memory_space<vmem>>)
    %dma_wait3A_179 = arith.constant 0 : i32
    %dma_wait3A_180 = arith.constant 0 : i32
    %dma_wait3A_181 = arith.constant 0 : i32
    %dma_wait3A_182 = tpu.memref_slice %arg6[%dma_wait3A_179, %dma_wait3A_180, %dma_wait3A_181] : memref<2x128x256xf32, #tpu.memory_space<vmem>> -> memref<1x128x256xf32, #tpu.memory_space<vmem>>
    %dma_wait3A_183 = tpu.memref_squeeze %dma_wait3A_182 : memref<1x128x256xf32, #tpu.memory_space<vmem>> -> memref<128x256xf32, #tpu.memory_space<vmem>>
    %dma_wait3A_184 = arith.constant 0 : i32
    %dma_wait3A_185 = tpu.memref_slice %arg4[%add3A_153, %dma_wait3A_184] : memref<16384x256xf32, #tpu.memory_space<hbm>> -> memref<128x256xf32, #tpu.memory_space<hbm>>
    %dma_wait3A_186 = arith.constant 0 : i32
    %dma_wait3A_187 = tpu.memref_slice %arg4[%add3A_153, %dma_wait3A_186] : memref<16384x256xf32, #tpu.memory_space<hbm>> -> memref<128x256xf32, #tpu.memory_space<hbm>>
    %dma_wait3A_188 = arith.constant 0 : i32
    %dma_wait3A_189 = arith.constant 0 : i32
    %dma_wait3A_190 = tpu.memref_slice %arg6[%dma_wait3A_179, %dma_wait3A_188, %dma_wait3A_189] : memref<2x128x256xf32, #tpu.memory_space<vmem>> -> memref<1x128x256xf32, #tpu.memory_space<vmem>>
    %dma_wait3A_191 = tpu.memref_squeeze %dma_wait3A_190 : memref<1x128x256xf32, #tpu.memory_space<vmem>> -> memref<128x256xf32, #tpu.memory_space<vmem>>
    tpu.wait_dma2 semaphore(%arg8 : memref<!tpu.dma_semaphore, #tpu.memory_space<semaphore_mem>>) src(%dma_wait3A_191 : memref<128x256xf32, #tpu.memory_space<vmem>>) dst(%dma_wait3A_187 : memref<128x256xf32, #tpu.memory_space<hbm>>)
    %add3A_192 = arith.constant 384 : i32
    %add3A_193 = arith.addi %mul3A_2, %add3A_192 : i32
    %dma_start3A_194 = arith.constant 1 : i32
    %dma_start3A_195 = arith.constant 0 : i32
    %dma_start3A_196 = arith.constant 0 : i32
    %dma_start3A_197 = tpu.memref_slice %arg6[%dma_start3A_194, %dma_start3A_195, %dma_start3A_196] : memref<2x128x256xf32, #tpu.memory_space<vmem>> -> memref<1x128x256xf32, #tpu.memory_space<vmem>>
    %dma_start3A_198 = tpu.memref_squeeze %dma_start3A_197 : memref<1x128x256xf32, #tpu.memory_space<vmem>> -> memref<128x256xf32, #tpu.memory_space<vmem>>
    %dma_start3A_199 = arith.constant 0 : i32
    %dma_start3A_200 = tpu.memref_slice %arg4[%add3A_193, %dma_start3A_199] : memref<16384x256xf32, #tpu.memory_space<hbm>> -> memref<128x256xf32, #tpu.memory_space<hbm>>
    %dma_start3A_201 = arith.constant 0 : i32
    %dma_start3A_202 = tpu.memref_slice %arg4[%add3A_193, %dma_start3A_201] : memref<16384x256xf32, #tpu.memory_space<hbm>> -> memref<128x256xf32, #tpu.memory_space<hbm>>
    %dma_start3A_203 = arith.constant 0 : i32
    %dma_start3A_204 = arith.constant 0 : i32
    %dma_start3A_205 = tpu.memref_slice %arg6[%dma_start3A_194, %dma_start3A_203, %dma_start3A_204] : memref<2x128x256xf32, #tpu.memory_space<vmem>> -> memref<1x128x256xf32, #tpu.memory_space<vmem>>
    %dma_start3A_206 = tpu.memref_squeeze %dma_start3A_205 : memref<1x128x256xf32, #tpu.memory_space<vmem>> -> memref<128x256xf32, #tpu.memory_space<vmem>>
    tpu.enqueue_dma source(%dma_start3A_206 : memref<128x256xf32, #tpu.memory_space<vmem>>) target(%dma_start3A_202 : memref<128x256xf32, #tpu.memory_space<hbm>>) target_semaphore(%arg8 : memref<!tpu.dma_semaphore, #tpu.memory_space<semaphore_mem>>)
    %dma_wait3A_207 = arith.constant 1 : i32
    %dma_wait3A_208 = arith.constant 0 : i32
    %dma_wait3A_209 = arith.constant 0 : i32
    %dma_wait3A_210 = tpu.memref_slice %arg6[%dma_wait3A_207, %dma_wait3A_208, %dma_wait3A_209] : memref<2x128x256xf32, #tpu.memory_space<vmem>> -> memref<1x128x256xf32, #tpu.memory_space<vmem>>
    %dma_wait3A_211 = tpu.memref_squeeze %dma_wait3A_210 : memref<1x128x256xf32, #tpu.memory_space<vmem>> -> memref<128x256xf32, #tpu.memory_space<vmem>>
    %dma_wait3A_212 = arith.constant 0 : i32
    %dma_wait3A_213 = tpu.memref_slice %arg4[%add3A_193, %dma_wait3A_212] : memref<16384x256xf32, #tpu.memory_space<hbm>> -> memref<128x256xf32, #tpu.memory_space<hbm>>
    %dma_wait3A_214 = arith.constant 0 : i32
    %dma_wait3A_215 = tpu.memref_slice %arg4[%add3A_193, %dma_wait3A_214] : memref<16384x256xf32, #tpu.memory_space<hbm>> -> memref<128x256xf32, #tpu.memory_space<hbm>>
    %dma_wait3A_216 = arith.constant 0 : i32
    %dma_wait3A_217 = arith.constant 0 : i32
    %dma_wait3A_218 = tpu.memref_slice %arg6[%dma_wait3A_207, %dma_wait3A_216, %dma_wait3A_217] : memref<2x128x256xf32, #tpu.memory_space<vmem>> -> memref<1x128x256xf32, #tpu.memory_space<vmem>>
    %dma_wait3A_219 = tpu.memref_squeeze %dma_wait3A_218 : memref<1x128x256xf32, #tpu.memory_space<vmem>> -> memref<128x256xf32, #tpu.memory_space<vmem>>
    tpu.wait_dma2 semaphore(%arg8 : memref<!tpu.dma_semaphore, #tpu.memory_space<semaphore_mem>>) src(%dma_wait3A_219 : memref<128x256xf32, #tpu.memory_space<vmem>>) dst(%dma_wait3A_215 : memref<128x256xf32, #tpu.memory_space<hbm>>)
    return
  }
}

module attributes {stable_mosaic.version = 14 : i64} {
  func.func @_enc_body(%arg0: i32, %arg1: memref<256x256xf32, #tpu.memory_space<vmem>>, %arg2: memref<256x256xf32, #tpu.memory_space<vmem>>, %arg3: memref<256x256xf32, #tpu.memory_space<vmem>>, %arg4: memref<768x512xf32, #tpu.memory_space<vmem>>, %arg5: memref<1x512xf32, #tpu.memory_space<vmem>>, %arg6: memref<512x512xf32, #tpu.memory_space<vmem>>, %arg7: memref<1x512xf32, #tpu.memory_space<vmem>>, %arg8: memref<512x256xf32, #tpu.memory_space<vmem>>, %arg9: memref<1x256xf32, #tpu.memory_space<vmem>>, %arg10: memref<256x256xf32, #tpu.memory_space<vmem>>, %arg11: memref<256x768xf32, #tpu.memory_space<vmem>>) attributes {dimension_semantics = [#tpu.dimension_semantics<arbitrary>], iteration_bounds = array<i64: 64>, scalar_prefetch = 0 : i64, scratch_operands = 1 : i64, tpu.core_type = #tpu.core_type<tc>, window_params = [{transform_indices = @transform_0, window_bounds = array<i64: 256, 256>}, {transform_indices = @transform_1, window_bounds = array<i64: 256, 256>}, {transform_indices = @transform_2, window_bounds = array<i64: 256, 256>}, {pipeline_mode = #tpu.pipeline_mode<synchronous>, transform_indices = @transform_3, window_bounds = array<i64: 768, 512>}, {pipeline_mode = #tpu.pipeline_mode<synchronous>, transform_indices = @transform_4, window_bounds = array<i64: 1, 512>}, {pipeline_mode = #tpu.pipeline_mode<synchronous>, transform_indices = @transform_5, window_bounds = array<i64: 512, 512>}, {pipeline_mode = #tpu.pipeline_mode<synchronous>, transform_indices = @transform_6, window_bounds = array<i64: 1, 512>}, {pipeline_mode = #tpu.pipeline_mode<synchronous>, transform_indices = @transform_7, window_bounds = array<i64: 512, 256>}, {pipeline_mode = #tpu.pipeline_mode<synchronous>, transform_indices = @transform_8, window_bounds = array<i64: 1, 256>}, {transform_indices = @transform_9, window_bounds = array<i64: 256, 256>}]} {
    %get3A = arith.constant 0 : index
    %get3A_0 = arith.constant 0 : index
    %get3A_1 = vector.load %arg1[%get3A, %get3A_0] : memref<256x256xf32, #tpu.memory_space<vmem>>, vector<256x256xf32>
    %swap3A = arith.constant 0 : index
    %swap3A_2 = arith.constant 0 : index
    %swap3A_3 = vector.load %arg11[%swap3A, %swap3A_2] : memref<256x768xf32, #tpu.memory_space<vmem>>, vector<256x256xf32>
    tpu.vector_store %arg11[%swap3A, %swap3A_2], %get3A_1 {strides = array<i32>} : memref<256x768xf32, #tpu.memory_space<vmem>>, vector<256x256xf32>,
    %get3A_4 = arith.constant 0 : index
    %get3A_5 = arith.constant 0 : index
    %get3A_6 = vector.load %arg2[%get3A_4, %get3A_5] : memref<256x256xf32, #tpu.memory_space<vmem>>, vector<256x256xf32>
    %swap3A_7 = arith.constant 0 : index
    %swap3A_8 = arith.constant 256 : index
    %swap3A_9 = vector.load %arg11[%swap3A_7, %swap3A_8] : memref<256x768xf32, #tpu.memory_space<vmem>>, vector<256x256xf32>
    tpu.vector_store %arg11[%swap3A_7, %swap3A_8], %get3A_6 {strides = array<i32>} : memref<256x768xf32, #tpu.memory_space<vmem>>, vector<256x256xf32>,
    %get3A_10 = arith.constant 0 : index
    %get3A_11 = arith.constant 0 : index
    %get3A_12 = vector.load %arg3[%get3A_10, %get3A_11] : memref<256x256xf32, #tpu.memory_space<vmem>>, vector<256x256xf32>
    %swap3A_13 = arith.constant 0 : index
    %swap3A_14 = arith.constant 512 : index
    %swap3A_15 = vector.load %arg11[%swap3A_13, %swap3A_14] : memref<256x768xf32, #tpu.memory_space<vmem>>, vector<256x256xf32>
    tpu.vector_store %arg11[%swap3A_13, %swap3A_14], %get3A_12 {strides = array<i32>} : memref<256x768xf32, #tpu.memory_space<vmem>>, vector<256x256xf32>,
    %get3A_16 = arith.constant 0 : index
    %get3A_17 = arith.constant 0 : index
    %get3A_18 = vector.load %arg11[%get3A_16, %get3A_17] : memref<256x768xf32, #tpu.memory_space<vmem>>, vector<256x768xf32>
    %get3A_19 = arith.constant 0 : index
    %get3A_20 = arith.constant 0 : index
    %get3A_21 = vector.load %arg4[%get3A_19, %get3A_20] : memref<768x512xf32, #tpu.memory_space<vmem>>, vector<768x512xf32>
    %dot_general3A = arith.constant dense<0.000000e+00> : vector<256x512xf32>
    %dot_general3A_22 = tpu.matmul %get3A_18, %get3A_21, %dot_general3A {dimension_numbers = #tpu.dot_dimension_numbers<[1], [0], [0], [1], [0, 0, 1, 1], [], []>, transpose_lhs_hint = false} : vector<256x768xf32>, vector<768x512xf32>, vector<256x512xf32> -> vector<256x512xf32>
    %get3A_23 = arith.constant 0 : index
    %get3A_24 = arith.constant 0 : index
    %get3A_25 = vector.load %arg5[%get3A_23, %get3A_24] : memref<1x512xf32, #tpu.memory_space<vmem>>, vector<1x512xf32>
    %add3A = vector.broadcast %get3A_25 : vector<1x512xf32> to vector<256x512xf32>
    %add3A_26 = arith.addf %dot_general3A_22, %add3A : vector<256x512xf32>
    %max3A = arith.constant 0.000000e+00 : f32
    %max3A_27 = vector.broadcast %max3A : f32 to vector<256x512xf32>
    %max3A_28 = arith.maximumf %add3A_26, %max3A_27 : vector<256x512xf32>
    %get3A_29 = arith.constant 0 : index
    %get3A_30 = arith.constant 0 : index
    %get3A_31 = vector.load %arg6[%get3A_29, %get3A_30] : memref<512x512xf32, #tpu.memory_space<vmem>>, vector<512x512xf32>
    %dot_general3A_32 = arith.constant dense<0.000000e+00> : vector<256x512xf32>
    %dot_general3A_33 = tpu.matmul %max3A_28, %get3A_31, %dot_general3A_32 {dimension_numbers = #tpu.dot_dimension_numbers<[1], [0], [0], [1], [0, 0, 1, 1], [], []>, transpose_lhs_hint = false} : vector<256x512xf32>, vector<512x512xf32>, vector<256x512xf32> -> vector<256x512xf32>
    %get3A_34 = arith.constant 0 : index
    %get3A_35 = arith.constant 0 : index
    %get3A_36 = vector.load %arg7[%get3A_34, %get3A_35] : memref<1x512xf32, #tpu.memory_space<vmem>>, vector<1x512xf32>
    %add3A_37 = vector.broadcast %get3A_36 : vector<1x512xf32> to vector<256x512xf32>
    %add3A_38 = arith.addf %dot_general3A_33, %add3A_37 : vector<256x512xf32>
    %max3A_39 = arith.constant 0.000000e+00 : f32
    %max3A_40 = vector.broadcast %max3A_39 : f32 to vector<256x512xf32>
    %max3A_41 = arith.maximumf %add3A_38, %max3A_40 : vector<256x512xf32>
    %get3A_42 = arith.constant 0 : index
    %get3A_43 = arith.constant 0 : index
    %get3A_44 = vector.load %arg8[%get3A_42, %get3A_43] : memref<512x256xf32, #tpu.memory_space<vmem>>, vector<512x256xf32>
    %dot_general3A_45 = arith.constant dense<0.000000e+00> : vector<256x256xf32>
    %dot_general3A_46 = tpu.matmul %max3A_41, %get3A_44, %dot_general3A_45 {dimension_numbers = #tpu.dot_dimension_numbers<[1], [0], [0], [1], [0, 0, 1, 1], [], []>, transpose_lhs_hint = false} : vector<256x512xf32>, vector<512x256xf32>, vector<256x256xf32> -> vector<256x256xf32>
    %get3A_47 = arith.constant 0 : index
    %get3A_48 = arith.constant 0 : index
    %get3A_49 = vector.load %arg9[%get3A_47, %get3A_48] : memref<1x256xf32, #tpu.memory_space<vmem>>, vector<1x256xf32>
    %add3A_50 = vector.broadcast %get3A_49 : vector<1x256xf32> to vector<256x256xf32>
    %add3A_51 = arith.addf %dot_general3A_46, %add3A_50 : vector<256x256xf32>
    %swap3A_52 = arith.constant 0 : index
    %swap3A_53 = arith.constant 0 : index
    %swap3A_54 = vector.load %arg10[%swap3A_52, %swap3A_53] : memref<256x256xf32, #tpu.memory_space<vmem>>, vector<256x256xf32>
    tpu.vector_store %arg10[%swap3A_52, %swap3A_53], %add3A_51 {strides = array<i32>} : memref<256x256xf32, #tpu.memory_space<vmem>>, vector<256x256xf32>,
    return
  }
  func.func @transform_0(%arg0: i32) -> (i32, i32) {
    %c0_i32 = arith.constant 0 : i32
    %c0_i32_0 = arith.constant 0 : i32
    return %arg0, %c0_i32 : i32, i32
  }
  func.func @transform_1(%arg0: i32) -> (i32, i32) {
    %c0_i32 = arith.constant 0 : i32
    %c0_i32_0 = arith.constant 0 : i32
    return %arg0, %c0_i32 : i32, i32
  }
  func.func @transform_2(%arg0: i32) -> (i32, i32) {
    %c0_i32 = arith.constant 0 : i32
    %c0_i32_0 = arith.constant 0 : i32
    return %arg0, %c0_i32 : i32, i32
  }
  func.func @transform_3(%arg0: i32) -> (i32, i32) {
    %c0_i32 = arith.constant 0 : i32
    %c0_i32_0 = arith.constant 0 : i32
    %c0_i32_1 = arith.constant 0 : i32
    return %c0_i32, %c0_i32_0 : i32, i32
  }
  func.func @transform_4(%arg0: i32) -> (i32, i32) {
    %c0_i32 = arith.constant 0 : i32
    %c0_i32_0 = arith.constant 0 : i32
    %c0_i32_1 = arith.constant 0 : i32
    return %c0_i32, %c0_i32_0 : i32, i32
  }
  func.func @transform_5(%arg0: i32) -> (i32, i32) {
    %c0_i32 = arith.constant 0 : i32
    %c0_i32_0 = arith.constant 0 : i32
    %c0_i32_1 = arith.constant 0 : i32
    return %c0_i32, %c0_i32_0 : i32, i32
  }
  func.func @transform_6(%arg0: i32) -> (i32, i32) {
    %c0_i32 = arith.constant 0 : i32
    %c0_i32_0 = arith.constant 0 : i32
    %c0_i32_1 = arith.constant 0 : i32
    return %c0_i32, %c0_i32_0 : i32, i32
  }
  func.func @transform_7(%arg0: i32) -> (i32, i32) {
    %c0_i32 = arith.constant 0 : i32
    %c0_i32_0 = arith.constant 0 : i32
    %c0_i32_1 = arith.constant 0 : i32
    return %c0_i32, %c0_i32_0 : i32, i32
  }
  func.func @transform_8(%arg0: i32) -> (i32, i32) {
    %c0_i32 = arith.constant 0 : i32
    %c0_i32_0 = arith.constant 0 : i32
    %c0_i32_1 = arith.constant 0 : i32
    return %c0_i32, %c0_i32_0 : i32, i32
  }
  func.func @transform_9(%arg0: i32) -> (i32, i32) {
    %c0_i32 = arith.constant 0 : i32
    %c0_i32_0 = arith.constant 0 : i32
    return %arg0, %c0_i32 : i32, i32
  }
}

module attributes {stable_mosaic.version = 14 : i64} {
  func.func @_vq_body(%arg0: i32, %arg1: memref<256x256xf32, #tpu.memory_space<vmem>>, %arg2: memref<256x1xf32, #tpu.memory_space<vmem>>, %arg3: memref<1x8192xf32, #tpu.memory_space<vmem>>, %arg4: memref<8192x256xf32, #tpu.memory_space<vmem>>, %arg5: memref<256x1xi32, #tpu.memory_space<vmem>>) attributes {dimension_semantics = [#tpu.dimension_semantics<arbitrary>], iteration_bounds = array<i64: 64>, scalar_prefetch = 0 : i64, scratch_operands = 0 : i64, tpu.core_type = #tpu.core_type<tc>, window_params = [{transform_indices = @transform_0, window_bounds = array<i64: 256, 256>}, {transform_indices = @transform_1, window_bounds = array<i64: 256, 1>}, {pipeline_mode = #tpu.pipeline_mode<synchronous>, transform_indices = @transform_2, window_bounds = array<i64: 1, 8192>}, {pipeline_mode = #tpu.pipeline_mode<synchronous>, transform_indices = @transform_3, window_bounds = array<i64: 8192, 256>}, {transform_indices = @transform_4, window_bounds = array<i64: 256, 1>}]} {
    %get3A = arith.constant 0 : index
    %get3A_0 = arith.constant 0 : index
    %get3A_1 = vector.load %arg1[%get3A, %get3A_0] : memref<256x256xf32, #tpu.memory_space<vmem>>, vector<256x256xf32>
    %get3A_2 = arith.constant 0 : index
    %get3A_3 = arith.constant 0 : index
    %get3A_4 = vector.load %arg2[%get3A_2, %get3A_3] : memref<256x1xf32, #tpu.memory_space<vmem>>, vector<256x1xf32>
    %broadcast_in_dim3A = arith.constant 0x7F800000 : f32
    %broadcast_in_dim3A_5 = vector.broadcast %broadcast_in_dim3A : f32 to vector<256x1xf32>
    %broadcast_in_dim3A_6 = arith.constant 0x7F800000 : f32
    %broadcast_in_dim3A_7 = vector.broadcast %broadcast_in_dim3A_6 : f32 to vector<256x1xf32>
    %broadcast_in_dim3A_8 = arith.constant 0x7F800000 : f32
    %broadcast_in_dim3A_9 = vector.broadcast %broadcast_in_dim3A_8 : f32 to vector<256x1xf32>
    %broadcast_in_dim3A_10 = arith.constant 0 : i32
    %broadcast_in_dim3A_11 = vector.broadcast %broadcast_in_dim3A_10 : i32 to vector<256x1xi32>
    %broadcast_in_dim3A_12 = arith.constant 0 : i32
    %broadcast_in_dim3A_13 = vector.broadcast %broadcast_in_dim3A_12 : i32 to vector<256x1xi32>
    %broadcast_in_dim3A_14 = arith.constant 0 : i32
    %broadcast_in_dim3A_15 = vector.broadcast %broadcast_in_dim3A_14 : i32 to vector<256x1xi32>
    %iota3A = tpu.iota {dimensions = array<i32: 1>} : vector<256x1024xi32>
    %get3A_16 = arith.constant 0 : index
    %get3A_17 = arith.constant 0 : index
    %get3A_18 = vector.load %arg4[%get3A_16, %get3A_17] : memref<8192x256xf32, #tpu.memory_space<vmem>>, vector<1024x256xf32>
    %dot_general3A = arith.constant dense<0.000000e+00> : vector<256x1024xf32>
    %dot_general3A_19 = tpu.matmul %get3A_1, %get3A_18, %dot_general3A {dimension_numbers = #tpu.dot_dimension_numbers<[1], [1], [0], [0], [0, 0, 1, 0], [], []>, transpose_lhs_hint = false} : vector<256x256xf32>, vector<1024x256xf32>, vector<256x1024xf32> -> vector<256x1024xf32>
    %get3A_20 = arith.constant 0 : index
    %get3A_21 = arith.constant 0 : index
    %get3A_22 = vector.load %arg3[%get3A_20, %get3A_21] : memref<1x8192xf32, #tpu.memory_space<vmem>>, vector<1x1024xf32>
    %add3A = vector.broadcast %get3A_4 : vector<256x1xf32> to vector<256x1024xf32>
    %add3A_23 = vector.broadcast %get3A_22 : vector<1x1024xf32> to vector<256x1024xf32>
    %add3A_24 = arith.addf %add3A, %add3A_23 : vector<256x1024xf32>
    %mul3A = arith.constant 2.000000e+00 : f32
    %mul3A_25 = vector.broadcast %mul3A : f32 to vector<256x1024xf32>
    %mul3A_26 = arith.mulf %mul3A_25, %dot_general3A_19 : vector<256x1024xf32>
    %sub3A = arith.subf %add3A_24, %mul3A_26 : vector<256x1024xf32>
    %reduce_min3A = arith.constant dense<0x7F800000> : vector<256xf32>
    %reduce_min3A_27 = vector.multi_reduction <minimumf>, %sub3A, %reduce_min3A [1] : vector<256x1024xf32> to vector<256xf32>
    %broadcast_in_dim3A_28 = vector.shape_cast %reduce_min3A_27 : vector<256xf32> to vector<256x1xf32>
    %eq3A = vector.broadcast %broadcast_in_dim3A_28 : vector<256x1xf32> to vector<256x1024xf32>
    %eq3A_29 = arith.cmpf oeq, %sub3A, %eq3A : vector<256x1024xf32>
    %jit3A = arith.constant 1024 : i32
    %broadcast_in_dim3A_30 = vector.broadcast %jit3A : i32 to vector<256x1024xi32>
    %select_n3A = arith.select %eq3A_29, %iota3A, %broadcast_in_dim3A_30 : vector<256x1024xi1>, vector<256x1024xi32>
    %reduce_min3A_31 = arith.constant dense<2147483647> : vector<256xi32>
    %reduce_min3A_32 = vector.multi_reduction <minsi>, %select_n3A, %reduce_min3A_31 [1] : vector<256x1024xi32> to vector<256xi32>
    %broadcast_in_dim3A_33 = vector.shape_cast %reduce_min3A_32 : vector<256xi32> to vector<256x1xi32>
    %add3A_34 = arith.constant 0 : i32
    %add3A_35 = vector.broadcast %add3A_34 : i32 to vector<256x1xi32>
    %add3A_36 = arith.addi %broadcast_in_dim3A_33, %add3A_35 : vector<256x1xi32>
    %lt3A = arith.cmpf olt, %broadcast_in_dim3A_28, %broadcast_in_dim3A_5 : vector<256x1xf32>
    %select_n3A_37 = arith.select %lt3A, %add3A_36, %broadcast_in_dim3A_11 : vector<256x1xi1>, vector<256x1xi32>
    %select_n3A_38 = arith.select %lt3A, %broadcast_in_dim3A_28, %broadcast_in_dim3A_5 : vector<256x1xi1>, vector<256x1xf32>
    %get3A_39 = arith.constant 1024 : index
    %get3A_40 = arith.constant 0 : index
    %get3A_41 = vector.load %arg4[%get3A_39, %get3A_40] : memref<8192x256xf32, #tpu.memory_space<vmem>>, vector<1024x256xf32>
    %dot_general3A_42 = arith.constant dense<0.000000e+00> : vector<256x1024xf32>
    %dot_general3A_43 = tpu.matmul %get3A_1, %get3A_41, %dot_general3A_42 {dimension_numbers = #tpu.dot_dimension_numbers<[1], [1], [0], [0], [0, 0, 1, 0], [], []>, transpose_lhs_hint = false} : vector<256x256xf32>, vector<1024x256xf32>, vector<256x1024xf32> -> vector<256x1024xf32>
    %get3A_44 = arith.constant 0 : index
    %get3A_45 = arith.constant 1024 : index
    %get3A_46 = vector.load %arg3[%get3A_44, %get3A_45] : memref<1x8192xf32, #tpu.memory_space<vmem>>, vector<1x1024xf32>
    %add3A_47 = vector.broadcast %get3A_4 : vector<256x1xf32> to vector<256x1024xf32>
    %add3A_48 = vector.broadcast %get3A_46 : vector<1x1024xf32> to vector<256x1024xf32>
    %add3A_49 = arith.addf %add3A_47, %add3A_48 : vector<256x1024xf32>
    %mul3A_50 = arith.constant 2.000000e+00 : f32
    %mul3A_51 = vector.broadcast %mul3A_50 : f32 to vector<256x1024xf32>
    %mul3A_52 = arith.mulf %mul3A_51, %dot_general3A_43 : vector<256x1024xf32>
    %sub3A_53 = arith.subf %add3A_49, %mul3A_52 : vector<256x1024xf32>
    %reduce_min3A_54 = arith.constant dense<0x7F800000> : vector<256xf32>
    %reduce_min3A_55 = vector.multi_reduction <minimumf>, %sub3A_53, %reduce_min3A_54 [1] : vector<256x1024xf32> to vector<256xf32>
    %broadcast_in_dim3A_56 = vector.shape_cast %reduce_min3A_55 : vector<256xf32> to vector<256x1xf32>
    %eq3A_57 = vector.broadcast %broadcast_in_dim3A_56 : vector<256x1xf32> to vector<256x1024xf32>
    %eq3A_58 = arith.cmpf oeq, %sub3A_53, %eq3A_57 : vector<256x1024xf32>
    %jit3A_59 = arith.constant 1024 : i32
    %broadcast_in_dim3A_60 = vector.broadcast %jit3A_59 : i32 to vector<256x1024xi32>
    %select_n3A_61 = arith.select %eq3A_58, %iota3A, %broadcast_in_dim3A_60 : vector<256x1024xi1>, vector<256x1024xi32>
    %reduce_min3A_62 = arith.constant dense<2147483647> : vector<256xi32>
    %reduce_min3A_63 = vector.multi_reduction <minsi>, %select_n3A_61, %reduce_min3A_62 [1] : vector<256x1024xi32> to vector<256xi32>
    %broadcast_in_dim3A_64 = vector.shape_cast %reduce_min3A_63 : vector<256xi32> to vector<256x1xi32>
    %add3A_65 = arith.constant 1024 : i32
    %add3A_66 = vector.broadcast %add3A_65 : i32 to vector<256x1xi32>
    %add3A_67 = arith.addi %broadcast_in_dim3A_64, %add3A_66 : vector<256x1xi32>
    %lt3A_68 = arith.cmpf olt, %broadcast_in_dim3A_56, %select_n3A_38 : vector<256x1xf32>
    %select_n3A_69 = arith.select %lt3A_68, %add3A_67, %select_n3A_37 : vector<256x1xi1>, vector<256x1xi32>
    %select_n3A_70 = arith.select %lt3A_68, %broadcast_in_dim3A_56, %select_n3A_38 : vector<256x1xi1>, vector<256x1xf32>
    %get3A_71 = arith.constant 2048 : index
    %get3A_72 = arith.constant 0 : index
    %get3A_73 = vector.load %arg4[%get3A_71, %get3A_72] : memref<8192x256xf32, #tpu.memory_space<vmem>>, vector<1024x256xf32>
    %dot_general3A_74 = arith.constant dense<0.000000e+00> : vector<256x1024xf32>
    %dot_general3A_75 = tpu.matmul %get3A_1, %get3A_73, %dot_general3A_74 {dimension_numbers = #tpu.dot_dimension_numbers<[1], [1], [0], [0], [0, 0, 1, 0], [], []>, transpose_lhs_hint = false} : vector<256x256xf32>, vector<1024x256xf32>, vector<256x1024xf32> -> vector<256x1024xf32>
    %get3A_76 = arith.constant 0 : index
    %get3A_77 = arith.constant 2048 : index
    %get3A_78 = vector.load %arg3[%get3A_76, %get3A_77] : memref<1x8192xf32, #tpu.memory_space<vmem>>, vector<1x1024xf32>
    %add3A_79 = vector.broadcast %get3A_4 : vector<256x1xf32> to vector<256x1024xf32>
    %add3A_80 = vector.broadcast %get3A_78 : vector<1x1024xf32> to vector<256x1024xf32>
    %add3A_81 = arith.addf %add3A_79, %add3A_80 : vector<256x1024xf32>
    %mul3A_82 = arith.constant 2.000000e+00 : f32
    %mul3A_83 = vector.broadcast %mul3A_82 : f32 to vector<256x1024xf32>
    %mul3A_84 = arith.mulf %mul3A_83, %dot_general3A_75 : vector<256x1024xf32>
    %sub3A_85 = arith.subf %add3A_81, %mul3A_84 : vector<256x1024xf32>
    %ge3A = arith.constant -2048 : i32
    %ge3A_86 = vector.broadcast %ge3A : i32 to vector<256x1024xi32>
    %ge3A_87 = arith.cmpi sge, %iota3A, %ge3A_86 : vector<256x1024xi32>
    %lt3A_88 = arith.constant 683 : i32
    %lt3A_89 = vector.broadcast %lt3A_88 : i32 to vector<256x1024xi32>
    %lt3A_90 = arith.cmpi slt, %iota3A, %lt3A_89 : vector<256x1024xi32>
    %and3A = arith.andi %ge3A_87, %lt3A_90 : vector<256x1024xi1>
    %jit3A_91 = arith.constant 0x7F800000 : f32
    %broadcast_in_dim3A_92 = vector.broadcast %jit3A_91 : f32 to vector<256x1024xf32>
    %select_n3A_93 = arith.select %and3A, %sub3A_85, %broadcast_in_dim3A_92 : vector<256x1024xi1>, vector<256x1024xf32>
    %reduce_min3A_94 = arith.constant dense<0x7F800000> : vector<256xf32>
    %reduce_min3A_95 = vector.multi_reduction <minimumf>, %select_n3A_93, %reduce_min3A_94 [1] : vector<256x1024xf32> to vector<256xf32>
    %broadcast_in_dim3A_96 = vector.shape_cast %reduce_min3A_95 : vector<256xf32> to vector<256x1xf32>
    %eq3A_97 = vector.broadcast %broadcast_in_dim3A_96 : vector<256x1xf32> to vector<256x1024xf32>
    %eq3A_98 = arith.cmpf oeq, %select_n3A_93, %eq3A_97 : vector<256x1024xf32>
    %jit3A_99 = arith.constant 1024 : i32
    %broadcast_in_dim3A_100 = vector.broadcast %jit3A_99 : i32 to vector<256x1024xi32>
    %select_n3A_101 = arith.select %eq3A_98, %iota3A, %broadcast_in_dim3A_100 : vector<256x1024xi1>, vector<256x1024xi32>
    %reduce_min3A_102 = arith.constant dense<2147483647> : vector<256xi32>
    %reduce_min3A_103 = vector.multi_reduction <minsi>, %select_n3A_101, %reduce_min3A_102 [1] : vector<256x1024xi32> to vector<256xi32>
    %broadcast_in_dim3A_104 = vector.shape_cast %reduce_min3A_103 : vector<256xi32> to vector<256x1xi32>
    %add3A_105 = arith.constant 2048 : i32
    %add3A_106 = vector.broadcast %add3A_105 : i32 to vector<256x1xi32>
    %add3A_107 = arith.addi %broadcast_in_dim3A_104, %add3A_106 : vector<256x1xi32>
    %lt3A_108 = arith.cmpf olt, %broadcast_in_dim3A_96, %select_n3A_70 : vector<256x1xf32>
    %select_n3A_109 = arith.select %lt3A_108, %add3A_107, %select_n3A_69 : vector<256x1xi1>, vector<256x1xi32>
    %select_n3A_110 = arith.select %lt3A_108, %broadcast_in_dim3A_96, %select_n3A_70 : vector<256x1xi1>, vector<256x1xf32>
    %ge3A_111 = arith.constant 683 : i32
    %ge3A_112 = vector.broadcast %ge3A_111 : i32 to vector<256x1024xi32>
    %ge3A_113 = arith.cmpi sge, %iota3A, %ge3A_112 : vector<256x1024xi32>
    %lt3A_114 = arith.constant 3414 : i32
    %lt3A_115 = vector.broadcast %lt3A_114 : i32 to vector<256x1024xi32>
    %lt3A_116 = arith.cmpi slt, %iota3A, %lt3A_115 : vector<256x1024xi32>
    %and3A_117 = arith.andi %ge3A_113, %lt3A_116 : vector<256x1024xi1>
    %jit3A_118 = arith.constant 0x7F800000 : f32
    %broadcast_in_dim3A_119 = vector.broadcast %jit3A_118 : f32 to vector<256x1024xf32>
    %select_n3A_120 = arith.select %and3A_117, %sub3A_85, %broadcast_in_dim3A_119 : vector<256x1024xi1>, vector<256x1024xf32>
    %reduce_min3A_121 = arith.constant dense<0x7F800000> : vector<256xf32>
    %reduce_min3A_122 = vector.multi_reduction <minimumf>, %select_n3A_120, %reduce_min3A_121 [1] : vector<256x1024xf32> to vector<256xf32>
    %broadcast_in_dim3A_123 = vector.shape_cast %reduce_min3A_122 : vector<256xf32> to vector<256x1xf32>
    %eq3A_124 = vector.broadcast %broadcast_in_dim3A_123 : vector<256x1xf32> to vector<256x1024xf32>
    %eq3A_125 = arith.cmpf oeq, %select_n3A_120, %eq3A_124 : vector<256x1024xf32>
    %jit3A_126 = arith.constant 1024 : i32
    %broadcast_in_dim3A_127 = vector.broadcast %jit3A_126 : i32 to vector<256x1024xi32>
    %select_n3A_128 = arith.select %eq3A_125, %iota3A, %broadcast_in_dim3A_127 : vector<256x1024xi1>, vector<256x1024xi32>
    %reduce_min3A_129 = arith.constant dense<2147483647> : vector<256xi32>
    %reduce_min3A_130 = vector.multi_reduction <minsi>, %select_n3A_128, %reduce_min3A_129 [1] : vector<256x1024xi32> to vector<256xi32>
    %broadcast_in_dim3A_131 = vector.shape_cast %reduce_min3A_130 : vector<256xi32> to vector<256x1xi32>
    %add3A_132 = arith.constant 2048 : i32
    %add3A_133 = vector.broadcast %add3A_132 : i32 to vector<256x1xi32>
    %add3A_134 = arith.addi %broadcast_in_dim3A_131, %add3A_133 : vector<256x1xi32>
    %lt3A_135 = arith.cmpf olt, %broadcast_in_dim3A_123, %broadcast_in_dim3A_7 : vector<256x1xf32>
    %select_n3A_136 = arith.select %lt3A_135, %add3A_134, %broadcast_in_dim3A_13 : vector<256x1xi1>, vector<256x1xi32>
    %select_n3A_137 = arith.select %lt3A_135, %broadcast_in_dim3A_123, %broadcast_in_dim3A_7 : vector<256x1xi1>, vector<256x1xf32>
    %get3A_138 = arith.constant 3072 : index
    %get3A_139 = arith.constant 0 : index
    %get3A_140 = vector.load %arg4[%get3A_138, %get3A_139] : memref<8192x256xf32, #tpu.memory_space<vmem>>, vector<1024x256xf32>
    %dot_general3A_141 = arith.constant dense<0.000000e+00> : vector<256x1024xf32>
    %dot_general3A_142 = tpu.matmul %get3A_1, %get3A_140, %dot_general3A_141 {dimension_numbers = #tpu.dot_dimension_numbers<[1], [1], [0], [0], [0, 0, 1, 0], [], []>, transpose_lhs_hint = false} : vector<256x256xf32>, vector<1024x256xf32>, vector<256x1024xf32> -> vector<256x1024xf32>
    %get3A_143 = arith.constant 0 : index
    %get3A_144 = arith.constant 3072 : index
    %get3A_145 = vector.load %arg3[%get3A_143, %get3A_144] : memref<1x8192xf32, #tpu.memory_space<vmem>>, vector<1x1024xf32>
    %add3A_146 = vector.broadcast %get3A_4 : vector<256x1xf32> to vector<256x1024xf32>
    %add3A_147 = vector.broadcast %get3A_145 : vector<1x1024xf32> to vector<256x1024xf32>
    %add3A_148 = arith.addf %add3A_146, %add3A_147 : vector<256x1024xf32>
    %mul3A_149 = arith.constant 2.000000e+00 : f32
    %mul3A_150 = vector.broadcast %mul3A_149 : f32 to vector<256x1024xf32>
    %mul3A_151 = arith.mulf %mul3A_150, %dot_general3A_142 : vector<256x1024xf32>
    %sub3A_152 = arith.subf %add3A_148, %mul3A_151 : vector<256x1024xf32>
    %reduce_min3A_153 = arith.constant dense<0x7F800000> : vector<256xf32>
    %reduce_min3A_154 = vector.multi_reduction <minimumf>, %sub3A_152, %reduce_min3A_153 [1] : vector<256x1024xf32> to vector<256xf32>
    %broadcast_in_dim3A_155 = vector.shape_cast %reduce_min3A_154 : vector<256xf32> to vector<256x1xf32>
    %eq3A_156 = vector.broadcast %broadcast_in_dim3A_155 : vector<256x1xf32> to vector<256x1024xf32>
    %eq3A_157 = arith.cmpf oeq, %sub3A_152, %eq3A_156 : vector<256x1024xf32>
    %jit3A_158 = arith.constant 1024 : i32
    %broadcast_in_dim3A_159 = vector.broadcast %jit3A_158 : i32 to vector<256x1024xi32>
    %select_n3A_160 = arith.select %eq3A_157, %iota3A, %broadcast_in_dim3A_159 : vector<256x1024xi1>, vector<256x1024xi32>
    %reduce_min3A_161 = arith.constant dense<2147483647> : vector<256xi32>
    %reduce_min3A_162 = vector.multi_reduction <minsi>, %select_n3A_160, %reduce_min3A_161 [1] : vector<256x1024xi32> to vector<256xi32>
    %broadcast_in_dim3A_163 = vector.shape_cast %reduce_min3A_162 : vector<256xi32> to vector<256x1xi32>
    %add3A_164 = arith.constant 3072 : i32
    %add3A_165 = vector.broadcast %add3A_164 : i32 to vector<256x1xi32>
    %add3A_166 = arith.addi %broadcast_in_dim3A_163, %add3A_165 : vector<256x1xi32>
    %lt3A_167 = arith.cmpf olt, %broadcast_in_dim3A_155, %select_n3A_137 : vector<256x1xf32>
    %select_n3A_168 = arith.select %lt3A_167, %add3A_166, %select_n3A_136 : vector<256x1xi1>, vector<256x1xi32>
    %select_n3A_169 = arith.select %lt3A_167, %broadcast_in_dim3A_155, %select_n3A_137 : vector<256x1xi1>, vector<256x1xf32>
    %get3A_170 = arith.constant 4096 : index
    %get3A_171 = arith.constant 0 : index
    %get3A_172 = vector.load %arg4[%get3A_170, %get3A_171] : memref<8192x256xf32, #tpu.memory_space<vmem>>, vector<1024x256xf32>
    %dot_general3A_173 = arith.constant dense<0.000000e+00> : vector<256x1024xf32>
    %dot_general3A_174 = tpu.matmul %get3A_1, %get3A_172, %dot_general3A_173 {dimension_numbers = #tpu.dot_dimension_numbers<[1], [1], [0], [0], [0, 0, 1, 0], [], []>, transpose_lhs_hint = false} : vector<256x256xf32>, vector<1024x256xf32>, vector<256x1024xf32> -> vector<256x1024xf32>
    %get3A_175 = arith.constant 0 : index
    %get3A_176 = arith.constant 4096 : index
    %get3A_177 = vector.load %arg3[%get3A_175, %get3A_176] : memref<1x8192xf32, #tpu.memory_space<vmem>>, vector<1x1024xf32>
    %add3A_178 = vector.broadcast %get3A_4 : vector<256x1xf32> to vector<256x1024xf32>
    %add3A_179 = vector.broadcast %get3A_177 : vector<1x1024xf32> to vector<256x1024xf32>
    %add3A_180 = arith.addf %add3A_178, %add3A_179 : vector<256x1024xf32>
    %mul3A_181 = arith.constant 2.000000e+00 : f32
    %mul3A_182 = vector.broadcast %mul3A_181 : f32 to vector<256x1024xf32>
    %mul3A_183 = arith.mulf %mul3A_182, %dot_general3A_174 : vector<256x1024xf32>
    %sub3A_184 = arith.subf %add3A_180, %mul3A_183 : vector<256x1024xf32>
    %reduce_min3A_185 = arith.constant dense<0x7F800000> : vector<256xf32>
    %reduce_min3A_186 = vector.multi_reduction <minimumf>, %sub3A_184, %reduce_min3A_185 [1] : vector<256x1024xf32> to vector<256xf32>
    %broadcast_in_dim3A_187 = vector.shape_cast %reduce_min3A_186 : vector<256xf32> to vector<256x1xf32>
    %eq3A_188 = vector.broadcast %broadcast_in_dim3A_187 : vector<256x1xf32> to vector<256x1024xf32>
    %eq3A_189 = arith.cmpf oeq, %sub3A_184, %eq3A_188 : vector<256x1024xf32>
    %jit3A_190 = arith.constant 1024 : i32
    %broadcast_in_dim3A_191 = vector.broadcast %jit3A_190 : i32 to vector<256x1024xi32>
    %select_n3A_192 = arith.select %eq3A_189, %iota3A, %broadcast_in_dim3A_191 : vector<256x1024xi1>, vector<256x1024xi32>
    %reduce_min3A_193 = arith.constant dense<2147483647> : vector<256xi32>
    %reduce_min3A_194 = vector.multi_reduction <minsi>, %select_n3A_192, %reduce_min3A_193 [1] : vector<256x1024xi32> to vector<256xi32>
    %broadcast_in_dim3A_195 = vector.shape_cast %reduce_min3A_194 : vector<256xi32> to vector<256x1xi32>
    %add3A_196 = arith.constant 4096 : i32
    %add3A_197 = vector.broadcast %add3A_196 : i32 to vector<256x1xi32>
    %add3A_198 = arith.addi %broadcast_in_dim3A_195, %add3A_197 : vector<256x1xi32>
    %lt3A_199 = arith.cmpf olt, %broadcast_in_dim3A_187, %select_n3A_169 : vector<256x1xf32>
    %select_n3A_200 = arith.select %lt3A_199, %add3A_198, %select_n3A_168 : vector<256x1xi1>, vector<256x1xi32>
    %select_n3A_201 = arith.select %lt3A_199, %broadcast_in_dim3A_187, %select_n3A_169 : vector<256x1xi1>, vector<256x1xf32>
    %get3A_202 = arith.constant 5120 : index
    %get3A_203 = arith.constant 0 : index
    %get3A_204 = vector.load %arg4[%get3A_202, %get3A_203] : memref<8192x256xf32, #tpu.memory_space<vmem>>, vector<1024x256xf32>
    %dot_general3A_205 = arith.constant dense<0.000000e+00> : vector<256x1024xf32>
    %dot_general3A_206 = tpu.matmul %get3A_1, %get3A_204, %dot_general3A_205 {dimension_numbers = #tpu.dot_dimension_numbers<[1], [1], [0], [0], [0, 0, 1, 0], [], []>, transpose_lhs_hint = false} : vector<256x256xf32>, vector<1024x256xf32>, vector<256x1024xf32> -> vector<256x1024xf32>
    %get3A_207 = arith.constant 0 : index
    %get3A_208 = arith.constant 5120 : index
    %get3A_209 = vector.load %arg3[%get3A_207, %get3A_208] : memref<1x8192xf32, #tpu.memory_space<vmem>>, vector<1x1024xf32>
    %add3A_210 = vector.broadcast %get3A_4 : vector<256x1xf32> to vector<256x1024xf32>
    %add3A_211 = vector.broadcast %get3A_209 : vector<1x1024xf32> to vector<256x1024xf32>
    %add3A_212 = arith.addf %add3A_210, %add3A_211 : vector<256x1024xf32>
    %mul3A_213 = arith.constant 2.000000e+00 : f32
    %mul3A_214 = vector.broadcast %mul3A_213 : f32 to vector<256x1024xf32>
    %mul3A_215 = arith.mulf %mul3A_214, %dot_general3A_206 : vector<256x1024xf32>
    %sub3A_216 = arith.subf %add3A_212, %mul3A_215 : vector<256x1024xf32>
    %ge3A_217 = arith.constant -2389 : i32
    %ge3A_218 = vector.broadcast %ge3A_217 : i32 to vector<256x1024xi32>
    %ge3A_219 = arith.cmpi sge, %iota3A, %ge3A_218 : vector<256x1024xi32>
    %lt3A_220 = arith.constant 342 : i32
    %lt3A_221 = vector.broadcast %lt3A_220 : i32 to vector<256x1024xi32>
    %lt3A_222 = arith.cmpi slt, %iota3A, %lt3A_221 : vector<256x1024xi32>
    %and3A_223 = arith.andi %ge3A_219, %lt3A_222 : vector<256x1024xi1>
    %jit3A_224 = arith.constant 0x7F800000 : f32
    %broadcast_in_dim3A_225 = vector.broadcast %jit3A_224 : f32 to vector<256x1024xf32>
    %select_n3A_226 = arith.select %and3A_223, %sub3A_216, %broadcast_in_dim3A_225 : vector<256x1024xi1>, vector<256x1024xf32>
    %reduce_min3A_227 = arith.constant dense<0x7F800000> : vector<256xf32>
    %reduce_min3A_228 = vector.multi_reduction <minimumf>, %select_n3A_226, %reduce_min3A_227 [1] : vector<256x1024xf32> to vector<256xf32>
    %broadcast_in_dim3A_229 = vector.shape_cast %reduce_min3A_228 : vector<256xf32> to vector<256x1xf32>
    %eq3A_230 = vector.broadcast %broadcast_in_dim3A_229 : vector<256x1xf32> to vector<256x1024xf32>
    %eq3A_231 = arith.cmpf oeq, %select_n3A_226, %eq3A_230 : vector<256x1024xf32>
    %jit3A_232 = arith.constant 1024 : i32
    %broadcast_in_dim3A_233 = vector.broadcast %jit3A_232 : i32 to vector<256x1024xi32>
    %select_n3A_234 = arith.select %eq3A_231, %iota3A, %broadcast_in_dim3A_233 : vector<256x1024xi1>, vector<256x1024xi32>
    %reduce_min3A_235 = arith.constant dense<2147483647> : vector<256xi32>
    %reduce_min3A_236 = vector.multi_reduction <minsi>, %select_n3A_234, %reduce_min3A_235 [1] : vector<256x1024xi32> to vector<256xi32>
    %broadcast_in_dim3A_237 = vector.shape_cast %reduce_min3A_236 : vector<256xi32> to vector<256x1xi32>
    %add3A_238 = arith.constant 5120 : i32
    %add3A_239 = vector.broadcast %add3A_238 : i32 to vector<256x1xi32>
    %add3A_240 = arith.addi %broadcast_in_dim3A_237, %add3A_239 : vector<256x1xi32>
    %lt3A_241 = arith.cmpf olt, %broadcast_in_dim3A_229, %select_n3A_201 : vector<256x1xf32>
    %select_n3A_242 = arith.select %lt3A_241, %add3A_240, %select_n3A_200 : vector<256x1xi1>, vector<256x1xi32>
    %select_n3A_243 = arith.select %lt3A_241, %broadcast_in_dim3A_229, %select_n3A_201 : vector<256x1xi1>, vector<256x1xf32>
    %ge3A_244 = arith.constant 342 : i32
    %ge3A_245 = vector.broadcast %ge3A_244 : i32 to vector<256x1024xi32>
    %ge3A_246 = arith.cmpi sge, %iota3A, %ge3A_245 : vector<256x1024xi32>
    %lt3A_247 = arith.constant 3072 : i32
    %lt3A_248 = vector.broadcast %lt3A_247 : i32 to vector<256x1024xi32>
    %lt3A_249 = arith.cmpi slt, %iota3A, %lt3A_248 : vector<256x1024xi32>
    %and3A_250 = arith.andi %ge3A_246, %lt3A_249 : vector<256x1024xi1>
    %jit3A_251 = arith.constant 0x7F800000 : f32
    %broadcast_in_dim3A_252 = vector.broadcast %jit3A_251 : f32 to vector<256x1024xf32>
    %select_n3A_253 = arith.select %and3A_250, %sub3A_216, %broadcast_in_dim3A_252 : vector<256x1024xi1>, vector<256x1024xf32>
    %reduce_min3A_254 = arith.constant dense<0x7F800000> : vector<256xf32>
    %reduce_min3A_255 = vector.multi_reduction <minimumf>, %select_n3A_253, %reduce_min3A_254 [1] : vector<256x1024xf32> to vector<256xf32>
    %broadcast_in_dim3A_256 = vector.shape_cast %reduce_min3A_255 : vector<256xf32> to vector<256x1xf32>
    %eq3A_257 = vector.broadcast %broadcast_in_dim3A_256 : vector<256x1xf32> to vector<256x1024xf32>
    %eq3A_258 = arith.cmpf oeq, %select_n3A_253, %eq3A_257 : vector<256x1024xf32>
    %jit3A_259 = arith.constant 1024 : i32
    %broadcast_in_dim3A_260 = vector.broadcast %jit3A_259 : i32 to vector<256x1024xi32>
    %select_n3A_261 = arith.select %eq3A_258, %iota3A, %broadcast_in_dim3A_260 : vector<256x1024xi1>, vector<256x1024xi32>
    %reduce_min3A_262 = arith.constant dense<2147483647> : vector<256xi32>
    %reduce_min3A_263 = vector.multi_reduction <minsi>, %select_n3A_261, %reduce_min3A_262 [1] : vector<256x1024xi32> to vector<256xi32>
    %broadcast_in_dim3A_264 = vector.shape_cast %reduce_min3A_263 : vector<256xi32> to vector<256x1xi32>
    %add3A_265 = arith.constant 5120 : i32
    %add3A_266 = vector.broadcast %add3A_265 : i32 to vector<256x1xi32>
    %add3A_267 = arith.addi %broadcast_in_dim3A_264, %add3A_266 : vector<256x1xi32>
    %lt3A_268 = arith.cmpf olt, %broadcast_in_dim3A_256, %broadcast_in_dim3A_9 : vector<256x1xf32>
    %select_n3A_269 = arith.select %lt3A_268, %add3A_267, %broadcast_in_dim3A_15 : vector<256x1xi1>, vector<256x1xi32>
    %select_n3A_270 = arith.select %lt3A_268, %broadcast_in_dim3A_256, %broadcast_in_dim3A_9 : vector<256x1xi1>, vector<256x1xf32>
    %get3A_271 = arith.constant 6144 : index
    %get3A_272 = arith.constant 0 : index
    %get3A_273 = vector.load %arg4[%get3A_271, %get3A_272] : memref<8192x256xf32, #tpu.memory_space<vmem>>, vector<1024x256xf32>
    %dot_general3A_274 = arith.constant dense<0.000000e+00> : vector<256x1024xf32>
    %dot_general3A_275 = tpu.matmul %get3A_1, %get3A_273, %dot_general3A_274 {dimension_numbers = #tpu.dot_dimension_numbers<[1], [1], [0], [0], [0, 0, 1, 0], [], []>, transpose_lhs_hint = false} : vector<256x256xf32>, vector<1024x256xf32>, vector<256x1024xf32> -> vector<256x1024xf32>
    %get3A_276 = arith.constant 0 : index
    %get3A_277 = arith.constant 6144 : index
    %get3A_278 = vector.load %arg3[%get3A_276, %get3A_277] : memref<1x8192xf32, #tpu.memory_space<vmem>>, vector<1x1024xf32>
    %add3A_279 = vector.broadcast %get3A_4 : vector<256x1xf32> to vector<256x1024xf32>
    %add3A_280 = vector.broadcast %get3A_278 : vector<1x1024xf32> to vector<256x1024xf32>
    %add3A_281 = arith.addf %add3A_279, %add3A_280 : vector<256x1024xf32>
    %mul3A_282 = arith.constant 2.000000e+00 : f32
    %mul3A_283 = vector.broadcast %mul3A_282 : f32 to vector<256x1024xf32>
    %mul3A_284 = arith.mulf %mul3A_283, %dot_general3A_275 : vector<256x1024xf32>
    %sub3A_285 = arith.subf %add3A_281, %mul3A_284 : vector<256x1024xf32>
    %reduce_min3A_286 = arith.constant dense<0x7F800000> : vector<256xf32>
    %reduce_min3A_287 = vector.multi_reduction <minimumf>, %sub3A_285, %reduce_min3A_286 [1] : vector<256x1024xf32> to vector<256xf32>
    %broadcast_in_dim3A_288 = vector.shape_cast %reduce_min3A_287 : vector<256xf32> to vector<256x1xf32>
    %eq3A_289 = vector.broadcast %broadcast_in_dim3A_288 : vector<256x1xf32> to vector<256x1024xf32>
    %eq3A_290 = arith.cmpf oeq, %sub3A_285, %eq3A_289 : vector<256x1024xf32>
    %jit3A_291 = arith.constant 1024 : i32
    %broadcast_in_dim3A_292 = vector.broadcast %jit3A_291 : i32 to vector<256x1024xi32>
    %select_n3A_293 = arith.select %eq3A_290, %iota3A, %broadcast_in_dim3A_292 : vector<256x1024xi1>, vector<256x1024xi32>
    %reduce_min3A_294 = arith.constant dense<2147483647> : vector<256xi32>
    %reduce_min3A_295 = vector.multi_reduction <minsi>, %select_n3A_293, %reduce_min3A_294 [1] : vector<256x1024xi32> to vector<256xi32>
    %broadcast_in_dim3A_296 = vector.shape_cast %reduce_min3A_295 : vector<256xi32> to vector<256x1xi32>
    %add3A_297 = arith.constant 6144 : i32
    %add3A_298 = vector.broadcast %add3A_297 : i32 to vector<256x1xi32>
    %add3A_299 = arith.addi %broadcast_in_dim3A_296, %add3A_298 : vector<256x1xi32>
    %lt3A_300 = arith.cmpf olt, %broadcast_in_dim3A_288, %select_n3A_270 : vector<256x1xf32>
    %select_n3A_301 = arith.select %lt3A_300, %add3A_299, %select_n3A_269 : vector<256x1xi1>, vector<256x1xi32>
    %select_n3A_302 = arith.select %lt3A_300, %broadcast_in_dim3A_288, %select_n3A_270 : vector<256x1xi1>, vector<256x1xf32>
    %get3A_303 = arith.constant 7168 : index
    %get3A_304 = arith.constant 0 : index
    %get3A_305 = vector.load %arg4[%get3A_303, %get3A_304] : memref<8192x256xf32, #tpu.memory_space<vmem>>, vector<1024x256xf32>
    %dot_general3A_306 = arith.constant dense<0.000000e+00> : vector<256x1024xf32>
    %dot_general3A_307 = tpu.matmul %get3A_1, %get3A_305, %dot_general3A_306 {dimension_numbers = #tpu.dot_dimension_numbers<[1], [1], [0], [0], [0, 0, 1, 0], [], []>, transpose_lhs_hint = false} : vector<256x256xf32>, vector<1024x256xf32>, vector<256x1024xf32> -> vector<256x1024xf32>
    %get3A_308 = arith.constant 0 : index
    %get3A_309 = arith.constant 7168 : index
    %get3A_310 = vector.load %arg3[%get3A_308, %get3A_309] : memref<1x8192xf32, #tpu.memory_space<vmem>>, vector<1x1024xf32>
    %add3A_311 = vector.broadcast %get3A_4 : vector<256x1xf32> to vector<256x1024xf32>
    %add3A_312 = vector.broadcast %get3A_310 : vector<1x1024xf32> to vector<256x1024xf32>
    %add3A_313 = arith.addf %add3A_311, %add3A_312 : vector<256x1024xf32>
    %mul3A_314 = arith.constant 2.000000e+00 : f32
    %mul3A_315 = vector.broadcast %mul3A_314 : f32 to vector<256x1024xf32>
    %mul3A_316 = arith.mulf %mul3A_315, %dot_general3A_307 : vector<256x1024xf32>
    %sub3A_317 = arith.subf %add3A_313, %mul3A_316 : vector<256x1024xf32>
    %reduce_min3A_318 = arith.constant dense<0x7F800000> : vector<256xf32>
    %reduce_min3A_319 = vector.multi_reduction <minimumf>, %sub3A_317, %reduce_min3A_318 [1] : vector<256x1024xf32> to vector<256xf32>
    %broadcast_in_dim3A_320 = vector.shape_cast %reduce_min3A_319 : vector<256xf32> to vector<256x1xf32>
    %eq3A_321 = vector.broadcast %broadcast_in_dim3A_320 : vector<256x1xf32> to vector<256x1024xf32>
    %eq3A_322 = arith.cmpf oeq, %sub3A_317, %eq3A_321 : vector<256x1024xf32>
    %jit3A_323 = arith.constant 1024 : i32
    %broadcast_in_dim3A_324 = vector.broadcast %jit3A_323 : i32 to vector<256x1024xi32>
    %select_n3A_325 = arith.select %eq3A_322, %iota3A, %broadcast_in_dim3A_324 : vector<256x1024xi1>, vector<256x1024xi32>
    %reduce_min3A_326 = arith.constant dense<2147483647> : vector<256xi32>
    %reduce_min3A_327 = vector.multi_reduction <minsi>, %select_n3A_325, %reduce_min3A_326 [1] : vector<256x1024xi32> to vector<256xi32>
    %broadcast_in_dim3A_328 = vector.shape_cast %reduce_min3A_327 : vector<256xi32> to vector<256x1xi32>
    %add3A_329 = arith.constant 7168 : i32
    %add3A_330 = vector.broadcast %add3A_329 : i32 to vector<256x1xi32>
    %add3A_331 = arith.addi %broadcast_in_dim3A_328, %add3A_330 : vector<256x1xi32>
    %lt3A_332 = arith.cmpf olt, %broadcast_in_dim3A_320, %select_n3A_302 : vector<256x1xf32>
    %select_n3A_333 = arith.select %lt3A_332, %add3A_331, %select_n3A_301 : vector<256x1xi1>, vector<256x1xi32>
    %select_n3A_334 = arith.select %lt3A_332, %broadcast_in_dim3A_320, %select_n3A_302 : vector<256x1xi1>, vector<256x1xf32>
    %convert_element_type3A = arith.truncf %select_n3A_110 : vector<256x1xf32> to vector<256x1xbf16>
    %convert_element_type3A_335 = arith.extf %convert_element_type3A : vector<256x1xbf16> to vector<256x1xf32>
    %lt3A_336 = arith.cmpf olt, %convert_element_type3A_335, %select_n3A_243 : vector<256x1xf32>
    %eq3A_337 = arith.cmpf oeq, %convert_element_type3A_335, %select_n3A_243 : vector<256x1xf32>
    %or3A = arith.ori %lt3A_336, %eq3A_337 : vector<256x1xi1>
    %select_n3A_338 = arith.select %or3A, %select_n3A_109, %select_n3A_242 : vector<256x1xi1>, vector<256x1xi32>
    %select_n3A_339 = arith.select %lt3A_336, %convert_element_type3A_335, %select_n3A_243 : vector<256x1xi1>, vector<256x1xf32>
    %convert_element_type3A_340 = arith.truncf %select_n3A_339 : vector<256x1xf32> to vector<256x1xbf16>
    %convert_element_type3A_341 = arith.extf %convert_element_type3A_340 : vector<256x1xbf16> to vector<256x1xf32>
    %lt3A_342 = arith.cmpf olt, %convert_element_type3A_341, %select_n3A_334 : vector<256x1xf32>
    %eq3A_343 = arith.cmpf oeq, %convert_element_type3A_341, %select_n3A_334 : vector<256x1xf32>
    %or3A_344 = arith.ori %lt3A_342, %eq3A_343 : vector<256x1xi1>
    %select_n3A_345 = arith.select %or3A_344, %select_n3A_338, %select_n3A_333 : vector<256x1xi1>, vector<256x1xi32>
    %swap3A = arith.constant 0 : index
    %swap3A_346 = arith.constant 0 : index
    %swap3A_347 = vector.load %arg5[%swap3A, %swap3A_346] : memref<256x1xi32, #tpu.memory_space<vmem>>, vector<256x1xi32>
    tpu.vector_store %arg5[%swap3A, %swap3A_346], %select_n3A_345 {strides = array<i32>} : memref<256x1xi32, #tpu.memory_space<vmem>>, vector<256x1xi32>,
    return
  }
  func.func @transform_0(%arg0: i32) -> (i32, i32) {
    %c0_i32 = arith.constant 0 : i32
    %c0_i32_0 = arith.constant 0 : i32
    return %arg0, %c0_i32 : i32, i32
  }
  func.func @transform_1(%arg0: i32) -> (i32, i32) {
    %c0_i32 = arith.constant 0 : i32
    %c0_i32_0 = arith.constant 0 : i32
    return %arg0, %c0_i32 : i32, i32
  }
  func.func @transform_2(%arg0: i32) -> (i32, i32) {
    %c0_i32 = arith.constant 0 : i32
    %c0_i32_0 = arith.constant 0 : i32
    %c0_i32_1 = arith.constant 0 : i32
    return %c0_i32, %c0_i32_0 : i32, i32
  }
  func.func @transform_3(%arg0: i32) -> (i32, i32) {
    %c0_i32 = arith.constant 0 : i32
    %c0_i32_0 = arith.constant 0 : i32
    %c0_i32_1 = arith.constant 0 : i32
    return %c0_i32, %c0_i32_0 : i32, i32
  }
  func.func @transform_4(%arg0: i32) -> (i32, i32) {
    %c0_i32 = arith.constant 0 : i32
    %c0_i32_0 = arith.constant 0 : i32
    return %arg0, %c0_i32 : i32, i32
  }
}

module attributes {stable_mosaic.version = 14 : i64} {
  func.func @_dec_body(%arg0: i32, %arg1: memref<256x256xf32, #tpu.memory_space<vmem>>, %arg2: memref<256x256xf32, #tpu.memory_space<vmem>>, %arg3: memref<256x512xf32, #tpu.memory_space<vmem>>, %arg4: memref<1x512xf32, #tpu.memory_space<vmem>>, %arg5: memref<512x512xf32, #tpu.memory_space<vmem>>, %arg6: memref<1x512xf32, #tpu.memory_space<vmem>>, %arg7: memref<512x768xf32, #tpu.memory_space<vmem>>, %arg8: memref<1x768xf32, #tpu.memory_space<vmem>>, %arg9: memref<256x256xf32, #tpu.memory_space<vmem>>, %arg10: memref<256x256xf32, #tpu.memory_space<vmem>>, %arg11: memref<256x256xf32, #tpu.memory_space<vmem>>, %arg12: memref<1x1xf32, #tpu.memory_space<vmem>>) attributes {dimension_semantics = [#tpu.dimension_semantics<arbitrary>], iteration_bounds = array<i64: 64>, scalar_prefetch = 0 : i64, scratch_operands = 0 : i64, tpu.core_type = #tpu.core_type<tc>, window_params = [{transform_indices = @transform_0, window_bounds = array<i64: 256, 256>}, {transform_indices = @transform_1, window_bounds = array<i64: 256, 256>}, {pipeline_mode = #tpu.pipeline_mode<synchronous>, transform_indices = @transform_2, window_bounds = array<i64: 256, 512>}, {pipeline_mode = #tpu.pipeline_mode<synchronous>, transform_indices = @transform_3, window_bounds = array<i64: 1, 512>}, {pipeline_mode = #tpu.pipeline_mode<synchronous>, transform_indices = @transform_4, window_bounds = array<i64: 512, 512>}, {pipeline_mode = #tpu.pipeline_mode<synchronous>, transform_indices = @transform_5, window_bounds = array<i64: 1, 512>}, {pipeline_mode = #tpu.pipeline_mode<synchronous>, transform_indices = @transform_6, window_bounds = array<i64: 512, 768>}, {pipeline_mode = #tpu.pipeline_mode<synchronous>, transform_indices = @transform_7, window_bounds = array<i64: 1, 768>}, {transform_indices = @transform_8, window_bounds = array<i64: 256, 256>}, {transform_indices = @transform_9, window_bounds = array<i64: 256, 256>}, {transform_indices = @transform_10, window_bounds = array<i64: 256, 256>}, {pipeline_mode = #tpu.pipeline_mode<synchronous>, transform_indices = @transform_11, window_bounds = array<i64: 1, 1>}]} {
    %get3A = arith.constant 0 : index
    %get3A_0 = arith.constant 0 : index
    %get3A_1 = vector.load %arg1[%get3A, %get3A_0] : memref<256x256xf32, #tpu.memory_space<vmem>>, vector<256x256xf32>
    %get3A_2 = arith.constant 0 : index
    %get3A_3 = arith.constant 0 : index
    %get3A_4 = vector.load %arg2[%get3A_2, %get3A_3] : memref<256x256xf32, #tpu.memory_space<vmem>>, vector<256x256xf32>
    %sub3A = arith.subf %get3A_4, %get3A_1 : vector<256x256xf32>
    %add3A = arith.addf %get3A_1, %sub3A : vector<256x256xf32>
    %get3A_5 = arith.constant 0 : index
    %get3A_6 = arith.constant 0 : index
    %get3A_7 = vector.load %arg3[%get3A_5, %get3A_6] : memref<256x512xf32, #tpu.memory_space<vmem>>, vector<256x512xf32>
    %dot_general3A = arith.constant dense<0.000000e+00> : vector<256x512xf32>
    %dot_general3A_8 = tpu.matmul %add3A, %get3A_7, %dot_general3A {dimension_numbers = #tpu.dot_dimension_numbers<[1], [0], [0], [1], [0, 0, 1, 1], [], []>, transpose_lhs_hint = false} : vector<256x256xf32>, vector<256x512xf32>, vector<256x512xf32> -> vector<256x512xf32>
    %get3A_9 = arith.constant 0 : index
    %get3A_10 = arith.constant 0 : index
    %get3A_11 = vector.load %arg4[%get3A_9, %get3A_10] : memref<1x512xf32, #tpu.memory_space<vmem>>, vector<1x512xf32>
    %add3A_12 = vector.broadcast %get3A_11 : vector<1x512xf32> to vector<256x512xf32>
    %add3A_13 = arith.addf %dot_general3A_8, %add3A_12 : vector<256x512xf32>
    %max3A = arith.constant 0.000000e+00 : f32
    %max3A_14 = vector.broadcast %max3A : f32 to vector<256x512xf32>
    %max3A_15 = arith.maximumf %add3A_13, %max3A_14 : vector<256x512xf32>
    %get3A_16 = arith.constant 0 : index
    %get3A_17 = arith.constant 0 : index
    %get3A_18 = vector.load %arg5[%get3A_16, %get3A_17] : memref<512x512xf32, #tpu.memory_space<vmem>>, vector<512x512xf32>
    %dot_general3A_19 = arith.constant dense<0.000000e+00> : vector<256x512xf32>
    %dot_general3A_20 = tpu.matmul %max3A_15, %get3A_18, %dot_general3A_19 {dimension_numbers = #tpu.dot_dimension_numbers<[1], [0], [0], [1], [0, 0, 1, 1], [], []>, transpose_lhs_hint = false} : vector<256x512xf32>, vector<512x512xf32>, vector<256x512xf32> -> vector<256x512xf32>
    %get3A_21 = arith.constant 0 : index
    %get3A_22 = arith.constant 0 : index
    %get3A_23 = vector.load %arg6[%get3A_21, %get3A_22] : memref<1x512xf32, #tpu.memory_space<vmem>>, vector<1x512xf32>
    %add3A_24 = vector.broadcast %get3A_23 : vector<1x512xf32> to vector<256x512xf32>
    %add3A_25 = arith.addf %dot_general3A_20, %add3A_24 : vector<256x512xf32>
    %max3A_26 = arith.constant 0.000000e+00 : f32
    %max3A_27 = vector.broadcast %max3A_26 : f32 to vector<256x512xf32>
    %max3A_28 = arith.maximumf %add3A_25, %max3A_27 : vector<256x512xf32>
    %get3A_29 = arith.constant 0 : index
    %get3A_30 = arith.constant 0 : index
    %get3A_31 = vector.load %arg7[%get3A_29, %get3A_30] : memref<512x768xf32, #tpu.memory_space<vmem>>, vector<512x768xf32>
    %dot_general3A_32 = arith.constant dense<0.000000e+00> : vector<256x768xf32>
    %dot_general3A_33 = tpu.matmul %max3A_28, %get3A_31, %dot_general3A_32 {dimension_numbers = #tpu.dot_dimension_numbers<[1], [0], [0], [1], [0, 0, 1, 1], [], []>, transpose_lhs_hint = false} : vector<256x512xf32>, vector<512x768xf32>, vector<256x768xf32> -> vector<256x768xf32>
    %get3A_34 = arith.constant 0 : index
    %get3A_35 = arith.constant 0 : index
    %get3A_36 = vector.load %arg8[%get3A_34, %get3A_35] : memref<1x768xf32, #tpu.memory_space<vmem>>, vector<1x768xf32>
    %add3A_37 = vector.broadcast %get3A_36 : vector<1x768xf32> to vector<256x768xf32>
    %add3A_38 = arith.addf %dot_general3A_33, %add3A_37 : vector<256x768xf32>
    %slice3A = vector.extract_strided_slice %add3A_38 {offsets = [0, 0], sizes = [256, 256], strides = [1, 1]} : vector<256x768xf32> to vector<256x256xf32>
    %swap3A = arith.constant 0 : index
    %swap3A_39 = arith.constant 0 : index
    %swap3A_40 = vector.load %arg9[%swap3A, %swap3A_39] : memref<256x256xf32, #tpu.memory_space<vmem>>, vector<256x256xf32>
    tpu.vector_store %arg9[%swap3A, %swap3A_39], %slice3A {strides = array<i32>} : memref<256x256xf32, #tpu.memory_space<vmem>>, vector<256x256xf32>,
    %slice3A_41 = vector.extract_strided_slice %add3A_38 {offsets = [0, 256], sizes = [256, 256], strides = [1, 1]} : vector<256x768xf32> to vector<256x256xf32>
    %swap3A_42 = arith.constant 0 : index
    %swap3A_43 = arith.constant 0 : index
    %swap3A_44 = vector.load %arg10[%swap3A_42, %swap3A_43] : memref<256x256xf32, #tpu.memory_space<vmem>>, vector<256x256xf32>
    tpu.vector_store %arg10[%swap3A_42, %swap3A_43], %slice3A_41 {strides = array<i32>} : memref<256x256xf32, #tpu.memory_space<vmem>>, vector<256x256xf32>,
    %slice3A_45 = vector.extract_strided_slice %add3A_38 {offsets = [0, 512], sizes = [256, 256], strides = [1, 1]} : vector<256x768xf32> to vector<256x256xf32>
    %swap3A_46 = arith.constant 0 : index
    %swap3A_47 = arith.constant 0 : index
    %swap3A_48 = vector.load %arg11[%swap3A_46, %swap3A_47] : memref<256x256xf32, #tpu.memory_space<vmem>>, vector<256x256xf32>
    tpu.vector_store %arg11[%swap3A_46, %swap3A_47], %slice3A_45 {strides = array<i32>} : memref<256x256xf32, #tpu.memory_space<vmem>>, vector<256x256xf32>,
    %mul3A = arith.mulf %sub3A, %sub3A : vector<256x256xf32>
    %reduce_sum3A = vector.shape_cast %mul3A : vector<256x256xf32> to vector<1x256x256xf32>
    %reduce_sum3A_49 = arith.constant dense<0.000000e+00> : vector<1xf32>
    %reduce_sum3A_50 = vector.multi_reduction <add>, %reduce_sum3A, %reduce_sum3A_49 [1, 2] : vector<1x256x256xf32> to vector<1xf32>
    %reduce_sum3A_51 = vector.shape_cast %reduce_sum3A_50 : vector<1xf32> to vector<1x1x1xf32>
    %reduce_sum3A_52 = vector.extract %reduce_sum3A_51[0, 0, 0] : f32 from vector<1x1x1xf32>
    %eq3A = arith.constant 0 : i32
    %eq3A_53 = arith.cmpi eq, %arg0, %eq3A : i32
    %convert_element_type3A = arith.extui %eq3A_53 : i1 to i32
    %cond3A = arith.constant 0 : i32
    %cond3A_54 = arith.cmpi ne, %convert_element_type3A, %cond3A : i32
    scf.if %cond3A_54 {
      %broadcast_in_dim3A = arith.constant 0.000000e+00 : f32
      %broadcast_in_dim3A_63 = vector.broadcast %broadcast_in_dim3A : f32 to vector<1x1xf32>
      %swap3A_64 = arith.constant 0 : index
      %swap3A_65 = arith.constant 0 : index
      %swap3A_66 = vector.load %arg12[%swap3A_64, %swap3A_65] : memref<1x1xf32, #tpu.memory_space<vmem>>, vector<1x1xf32>
      tpu.vector_store %arg12[%swap3A_64, %swap3A_65], %broadcast_in_dim3A_63 {strides = array<i32>} : memref<1x1xf32, #tpu.memory_space<vmem>>, vector<1x1xf32>,
    } else {
    }
    %get3A_55 = arith.constant 0 : index
    %get3A_56 = arith.constant 0 : index
    %get3A_57 = vector.load %arg12[%get3A_55, %get3A_56] : memref<1x1xf32, #tpu.memory_space<vmem>>, vector<1x1xf32>
    %add3A_58 = vector.broadcast %reduce_sum3A_52 : f32 to vector<1x1xf32>
    %add3A_59 = arith.addf %get3A_57, %add3A_58 : vector<1x1xf32>
    %swap3A_60 = arith.constant 0 : index
    %swap3A_61 = arith.constant 0 : index
    %swap3A_62 = vector.load %arg12[%swap3A_60, %swap3A_61] : memref<1x1xf32, #tpu.memory_space<vmem>>, vector<1x1xf32>
    tpu.vector_store %arg12[%swap3A_60, %swap3A_61], %add3A_59 {strides = array<i32>} : memref<1x1xf32, #tpu.memory_space<vmem>>, vector<1x1xf32>,
    return
  }
  func.func @transform_0(%arg0: i32) -> (i32, i32) {
    %c0_i32 = arith.constant 0 : i32
    %c0_i32_0 = arith.constant 0 : i32
    return %arg0, %c0_i32 : i32, i32
  }
  func.func @transform_1(%arg0: i32) -> (i32, i32) {
    %c0_i32 = arith.constant 0 : i32
    %c0_i32_0 = arith.constant 0 : i32
    return %arg0, %c0_i32 : i32, i32
  }
  func.func @transform_2(%arg0: i32) -> (i32, i32) {
    %c0_i32 = arith.constant 0 : i32
    %c0_i32_0 = arith.constant 0 : i32
    %c0_i32_1 = arith.constant 0 : i32
    return %c0_i32, %c0_i32_0 : i32, i32
  }
  func.func @transform_3(%arg0: i32) -> (i32, i32) {
    %c0_i32 = arith.constant 0 : i32
    %c0_i32_0 = arith.constant 0 : i32
    %c0_i32_1 = arith.constant 0 : i32
    return %c0_i32, %c0_i32_0 : i32, i32
  }
  func.func @transform_4(%arg0: i32) -> (i32, i32) {
    %c0_i32 = arith.constant 0 : i32
    %c0_i32_0 = arith.constant 0 : i32
    %c0_i32_1 = arith.constant 0 : i32
    return %c0_i32, %c0_i32_0 : i32, i32
  }
  func.func @transform_5(%arg0: i32) -> (i32, i32) {
    %c0_i32 = arith.constant 0 : i32
    %c0_i32_0 = arith.constant 0 : i32
    %c0_i32_1 = arith.constant 0 : i32
    return %c0_i32, %c0_i32_0 : i32, i32
  }
  func.func @transform_6(%arg0: i32) -> (i32, i32) {
    %c0_i32 = arith.constant 0 : i32
    %c0_i32_0 = arith.constant 0 : i32
    %c0_i32_1 = arith.constant 0 : i32
    return %c0_i32, %c0_i32_0 : i32, i32
  }
  func.func @transform_7(%arg0: i32) -> (i32, i32) {
    %c0_i32 = arith.constant 0 : i32
    %c0_i32_0 = arith.constant 0 : i32
    %c0_i32_1 = arith.constant 0 : i32
    return %c0_i32, %c0_i32_0 : i32, i32
  }
  func.func @transform_8(%arg0: i32) -> (i32, i32) {
    %c0_i32 = arith.constant 0 : i32
    %c0_i32_0 = arith.constant 0 : i32
    return %arg0, %c0_i32 : i32, i32
  }
  func.func @transform_9(%arg0: i32) -> (i32, i32) {
    %c0_i32 = arith.constant 0 : i32
    %c0_i32_0 = arith.constant 0 : i32
    return %arg0, %c0_i32 : i32, i32
  }
  func.func @transform_10(%arg0: i32) -> (i32, i32) {
    %c0_i32 = arith.constant 0 : i32
    %c0_i32_0 = arith.constant 0 : i32
    return %arg0, %c0_i32 : i32, i32
  }
  func.func @transform_11(%arg0: i32) -> (i32, i32) {
    %c0_i32 = arith.constant 0 : i32
    %c0_i32_0 = arith.constant 0 : i32
    %c0_i32_1 = arith.constant 0 : i32
    return %c0_i32, %c0_i32_0 : i32, i32
  }
}

</mosaic_0001>

<sc_bundles>
// kernel: kernel.6.cloned.1.call-start
scs
__scs_entry_jumppad:
0x0: {  	(pc) =	sbr.rel $0x88, $3  }
0x1: {  	(tag) =	ssettag $0x0;
	lr =	simm.s32 $0x1  }
0x2: {  	[smem:$0x3F91] =	sst lr;
	_ =	strace $0xD0000000  }
0x3: {  	_ = 	snop  }
0x4: {  	_ = 	snop  }
0x5: {  	_ = 	snop  }
0x6: {  	_ = 	snop  }
0x7: {  	_ = 	snop  }
__scs_overlays_trampoline_lowered:
0x8: {  	[smem:$0x3FA0] =	sst s0  }
0x9: {  	[smem:$0x3FA1] =	sst s1  }
0xa: {  	[smem:$0x3FA2] =	sst s2  }
0xb: {  	[smem:$0x3FA3] =	sst s3  }
0xc: {  	[smem:$0x3FA4] =	sst s4  }
0xd: {  	[smem:$0x3FA5] =	sst s5  }
0xe: {  	[smem:$0x3FA6] =	sst s6  }
0xf: {  	[smem:$0x3FA7] =	sst s7  }
0x10: {  	[smem:$0x3FA8] =	sst s8  }
0x11: {  	[smem:$0x3FA9] =	sst s9;
	s0 =	simm.s32 @!p0 $0x0  }
0x12: {  	s1 =	sld [smem:$0x3F8F];
	s0 =	simm.s32 @p0 $0x1  }
0x13: {  	[smem:$0x3FAA] =	sst s0;
	s0 =	simm.s32 @!p1 $0x0  }
0x14: {  	s2 =	sld [smem:$0x3F8E];
	s0 =	simm.s32 @p1 $0x1  }
0x15: {  	[smem:$0x3FAB] =	sst s0;
	s0 =	simm.s32 @!p2 $0x0  }
0x16: {  	s3 =	sld [smem:$0x3FDB];
	s0 =	simm.s32 @p2 $0x1  }
0x17: {  	s4 =	simm.s32 $0x1BF5;
	[smem:$0x3FAD] =	sst s0  }
0x18: {  	s0 =	sld [smem:$0x3F90];
	_ =	swait.ge [sflag:s4], $0x0  }
0x19: {  	s7 =	sld [smem:$0x3F91]  }
0x1a: {  	s8 =	sadd.s32 $0xFFFFE003, lr  }
0x1b: {  	s9 =	sadd.s32 $0xFFFFFEF7, lr;
	s5 =	simm.s32 $0xFFFFFFFF;
	p2 =	slt.u32 s8, $0xFFFFF086  }
0x1c: {  	p1 =	slt.u32 s9, $0xF7A;
	s5 =	simm.s32 @!p2 $0x0  }
0x1d: {  	s5 =	simm.s32 @p1 $0x1;
	p0 =	seq.s32 s7, s2  }
0x1e: {  	s7 =	smul.u32 @!p0 $0xF7A, s2;
	p2 =	seq.s32 @!p0 s5, $0x0  }
0x1f: {  	s9 =	smul.u32 $0xF7A, s1;
	s8 =	simm.s32 @!p0 $0x1BF5;
	p2 =	por !p2, p0  }
0x20: {  	[sflag:s8] =	ssyncset.s32 @!p0 $0xFFFFF086;
	s6 =	sadd.s32 @!p0 s3, s7;
	s7 =	simm.s32 @!p0 $0x108  }
0x21: {  	s3 =	sadd.s32 s3, s9;
	s6 =	sadd.s32 @!p0 $0x88, s6;
	s7 =	simm.s32 @p2 $0x1082  }
0x22: {  	[simem:s7], [sflag:s8] =	dma.local @!p0 [hbm:s6], $0xF7A  }
0x23: {  	s9 =	sor.u32 $0xD0000000, s2;
	s6 =	simm.s32 $0x108;
	_ =	swait.ge @!p0 [sflag:s8], $0x0  }
0x24: {  	s3 =	sadd.s32 $0x88, s3;
	s6 =	simm.s32 @!p1 $0x1082;
	[sflag:s4] =	ssyncset.s32 $0xFFFFF086  }
0x25: {  	[simem:s6], [sflag:s4] =	dma.local [hbm:s3], $0xF7A  }
0x26: {  	[smem:$0x3F91] =	sst s1;
	(tag) =	ssettag s2;
	_ =	strace s9  }
0x27: {  	s1 =	sld [smem:$0x3FA1]  }
0x28: {  	s2 =	sld [smem:$0x3FA2]  }
0x29: {  	s4 =	sld [smem:$0x3FA4]  }
0x2a: {  	p0 =	seq.s32 s5, $0x0;
	s5 =	sld [smem:$0x3FA5]  }
0x2b: {  	s6 =	sld [smem:$0x3FA6]  }
0x2c: {  	s7 =	sld [smem:$0x3FA7]  }
0x2d: {  	s3 =	simm.s32 $0x108;
	s8 =	sld [smem:$0x3FA8]  }
0x2e: {  	s3 =	simm.s32 @!p0 $0x1082;
	s9 =	sld [smem:$0x3FA9]  }
0x2f: {  	lr =	sadd.s32 s0, s3;
	s0 =	sld [smem:$0x3FA0]  }
0x30: {  	s3 =	sld [smem:$0x3FA3]  }
0x31: {  	[smem:$0x3FAC] =	sst s10  }
0x32: {  	s10 =	sld [smem:$0x3FAA];
	_ =	sdelay $0x3  }
0x33: {  	p0 =	seq.s32 s10, $0x1;
	s10 =	sld [smem:$0x3FAC];
	_ =	sdelay $0x3  }
0x34: {  	[smem:$0x3FAC] =	sst s10  }
0x35: {  	s10 =	sld [smem:$0x3FAB];
	_ =	sdelay $0x3  }
0x36: {  	p1 =	seq.s32 s10, $0x1;
	s10 =	sld [smem:$0x3FAC];
	_ =	sdelay $0x3  }
0x37: {  	[smem:$0x3FAC] =	sst s10  }
0x38: {  	s10 =	sld [smem:$0x3FAD]  }
0x39: {  	_ = 	snop;
	(pc) =	sbr.ind lr, $3  }
0x3a: {  	_ = 	snop  }
0x3b: {  	_ = 	snop  }
0x3c: {  	p2 =	seq.s32 s10, $0x1;
	s10 =	sld [smem:$0x3FAC]  }
0x3d: {  	_ =	shalt  }
0x3e: {  	_ =	shalt  }
0x3f: {  	_ =	shalt  }
0x40: {  	_ =	shalt  }
0x41: {  	_ =	shalt  }
0x42: {  	_ =	shalt  }
0x43: {  	_ =	shalt  }
0x44: {  	_ =	shalt  }
0x45: {  	_ =	shalt  }
0x46: {  	_ =	shalt  }
0x47: {  	_ =	shalt  }
0x48: {  	_ =	shalt  }
0x49: {  	_ =	shalt  }
0x4a: {  	_ =	shalt  }
0x4b: {  	_ =	shalt  }
0x4c: {  	_ =	shalt  }
0x4d: {  	_ =	shalt  }
0x4e: {  	_ =	shalt  }
0x4f: {  	_ =	shalt  }
0x50: {  	_ =	shalt  }
0x51: {  	_ =	shalt  }
0x52: {  	_ =	shalt  }
0x53: {  	_ =	shalt  }
0x54: {  	_ =	shalt  }
0x55: {  	_ =	shalt  }
0x56: {  	_ =	shalt  }
0x57: {  	_ =	shalt  }
0x58: {  	_ =	shalt  }
0x59: {  	_ =	shalt  }
0x5a: {  	_ =	shalt  }
0x5b: {  	_ =	shalt  }
0x5c: {  	_ =	shalt  }
0x5d: {  	_ =	shalt  }
0x5e: {  	_ =	shalt  }
0x5f: {  	_ =	shalt  }
0x60: {  	_ =	shalt  }
0x61: {  	_ =	shalt  }
0x62: {  	_ =	shalt  }
0x63: {  	_ =	shalt  }
0x64: {  	_ =	shalt  }
0x65: {  	_ =	shalt  }
0x66: {  	_ =	shalt  }
0x67: {  	_ =	shalt  }
0x68: {  	_ =	shalt  }
0x69: {  	_ =	shalt  }
0x6a: {  	_ =	shalt  }
0x6b: {  	_ =	shalt  }
0x6c: {  	_ =	shalt  }
0x6d: {  	_ =	shalt  }
0x6e: {  	_ =	shalt  }
0x6f: {  	_ =	shalt  }
0x70: {  	_ =	shalt  }
0x71: {  	_ =	shalt  }
0x72: {  	_ =	shalt  }
0x73: {  	_ =	shalt  }
0x74: {  	_ =	shalt  }
0x75: {  	_ =	shalt  }
0x76: {  	_ =	shalt  }
0x77: {  	_ =	shalt  }
0x78: {  	_ =	shalt  }
0x79: {  	_ =	shalt  }
0x7a: {  	_ =	shalt  }
0x7b: {  	_ =	shalt  }
0x7c: {  	_ =	shalt  }
0x7d: {  	_ =	shalt  }
0x7e: {  	_ =	shalt  }
0x7f: {  	_ =	shalt  }
0x80: {  	_ =	shalt  }
0x81: {  	_ =	shalt  }
0x82: {  	_ =	shalt  }
0x83: {  	_ =	shalt  }
0x84: {  	_ =	shalt  }
0x85: {  	_ =	shalt  }
0x86: {  	_ =	shalt  }
0x87: {  	_ =	shalt  }
.Lfunc_end0:
.L_simem_size_0:
called_computation_lowered:
.L_overlay_start_0:
0x88: {  	s2 =	sld [smem:$0x3FD9]  }
0x89: {  	s3 =	sld [smem:$0x3FFE];
	_ =	sdelay $0x1  }
0x8a: {  	s1 =	srdreg.scid  }
0x8b: {  	s0 =	sand.u32 $0x1, s1  }
0x8c: {  	s14 =	sshll.u32 s0, $0xA;
	s2 =	sadd.s32 s3, s2  }
0x8d: {  	s2 =	sadd.s32 s2, s14  }
0x8e: {  	[smem:$0x3FB8] =	sst s2  }
0x8f: {  	_ = 	snop  }
0x90: {  	s2 =	sld [smem:$0x3FD0];
	_ =	sdelay $0x2  }
0x91: {  	s4 =	simm.s32 $0xA;
	s5 =	simm.s32 $0x10;
	s15 =	sld [smem:$0x3FC0]  }
0x92: {  	[smem:s5], [sflag:s4] =	dma.local [hbm:s2], $0x1  }
0x93: {  	_ =	swait.eq [sflag:s4], $0x1  }
0x94: {  	[sflag:s4] =	ssyncset.done $0x0  }
0x95: {  	[sflag:s4] =	ssyncadd.s32 $0xFFFFFFFF  }
0x96: {  	s16 =	sld [smem:$0x13];
	(tm) =	ssettm $0x1  }
0x97: {  	s17 =	sld [smem:$0x3FFB];
	_ =	sdelay $0x3  }
0x98: {  	_ =	strace s17  }
0x99: {  	s4 =	sld [smem:$0x3FFC];
	_ =	sdelay $0x3  }
0x9a: {  	_ =	strace s4  }
0x9b: {  	s4 =	sld [smem:$0x3FFD];
	_ =	sdelay $0x3  }
0x9c: {  	_ =	strace s4  }
0x9d: {  	_ =	strace $0x8FFFFFFF  }
0x9e: {  	s18 =	sld [smem:$0x3FDB];
	_ =	sdelay $0x1  }
0x9f: {  	s19 =	simm.s32 $_scs_section_size  }
0xa0: {  	s6 =	simm.s32 $_size__tile_overlayer_lowered;
	s7 =	simm.s32 $_tile_overlayer_lowered  }
0xa1: {  	s22 =	simm.s32 $0x1BFF;
	s21 =	sshll.u32 s7, $0x1;
	s4 =	sadd.s32 s19, s18  }
0xa2: {  	s8 =	simm.s32 $0x0;
	s20 =	sshll.u32 s6, $0x1;
	s6 =	sadd.s32 s21, s4  }
0xa3: {  	[timem:s8], [sflag:s22] =	dma.local [hbm:s6], s20  }
0xa4: {  	_ =	swait.ge [sflag:s22], s20  }
0xa5: {  	s5 =	ssub.s32 $0x0, s20;
	[sflag:s22] =	ssyncset.done $0x0  }
0xa6: {  	[sflag:s22] =	ssyncadd.s32 s5;
	_ =	sdelay $0x1  }
0xa7: {  	s23 =	simm.s32 $0x1B8B  }
0xa8: {  	_ =	swait.ge [sflag:s23], $0x1  }
0xa9: {  	[sflag:s23] =	ssyncset.done $0x0  }
0xaa: {  	s25 =	simm.s32 $0x1B8E;
	s24 =	sld [smem:$0x3FFE];
	[sflag:s23] =	ssyncadd.s32 $0xFFFFFFFF  }
0xab: {  	s26 =	simm.s32 $execute0_lowered;
	[smem:$0x3FD2] =	sst s25  }
0xac: {  	s6 =	sshll.u32 s26, $0x1;
	_ =	strace $0x80000046;
	[dreg:$0x1] =	wrdreg $0xFFFFFFFF  }
0xad: {  	s28 =	simm.s32 $_size_execute0_lowered;
	s4 =	sadd.s32 s4, s6;
	[dreg:$0x0] =	wrdreg $0x0  }
0xae: {  	s6 =	sshll.u32 s28, $0x1;
	[dreg:$0x2] =	wrdreg s4  }
0xaf: {  	[dreg:$0x3] =	wrdreg s6  }
0xb0: {  	[dreg:$0x4] =	wrdreg $0xC0  }
0xb1: {  	_ =	task [dreg:s8], $0x5FFFF  }
0xb2: {  	[dreg:$0x1] =	wrdreg $0xFFFFFFFF  }
0xb3: {  	[dreg:$0x0] =	wrdreg $0x60  }
0xb4: {  	[dreg:$0x2] =	wrdreg s15  }
0xb5: {  	[dreg:$0x3] =	wrdreg s16  }
0xb6: {  	[dreg:$0x4] =	wrdreg s24  }
0xb7: {  	[dreg:$0x5] =	wrdreg $0x9  }
0xb8: {  	_ =	task.clear_ibuf [dreg:s8], $0x6FFFF;
	_ =	strace $0x90000046  }
0xb9: {  	s29 =	simm.s32 $0x9;
	_ =	strace $0x80000048  }
0xba: {  	_ =	swait.ge [sflag:s29], $0x1  }
0xbb: {  	[sflag:s29] =	ssyncadd.s32 $0xFFFFFFFF  }
0xbc: {  	_ =	strace $0x90000048  }
0xbd: {  	_ =	sfence  }
0xbe: {  	s30 =	sld [smem:$0x0];
	_ =	sdelay $0x2  }
0xbf: {  	s31 =	sshll.u32 s1, $0xD;
	s1 =	sshrl.u32 s1, $0x2  }
0xc0: {  	s3 =	sand.u32 $0x4000, s31;
	s1 =	sadd.s32 s1, s30  }
0xc1: {  	s0 =	sor.u32 s3, s0;
	s1 =	sshll.u32 s1, $0x11  }
0xc2: {  	s0 =	sor.u32 s1, s0  }
0xc3: {  	s0 =	sadd.s32 $0x8F2B, s0  }
0xc4: {  	[sflag:s0] =	ssyncadd.remote.s32 $0x1  }
0xc5: {  	_ =	sfence.sel $0xFFFF  }
0xc6: {  	[dreg:$0x0] =	wrdreg $0xFFFFFFFF;
	(pc) =	sbr.abs _section_cstart, $3  }
0xc7: {  	[dreg:$0x1] =	wrdreg $0xFFFFFFFF  }
0xc8: {  	_ =	task.clear_ibuf [dreg:s8], $0x2FFFF;
	_ =	strace $0x9FFFFFFF  }
0xc9: {  	(tm) =	ssettm $0x7FFFFFFF  }
tec
execute0_lowered:
.L_overlay_start_1:
0x0: {  	(tag) =	ssettag $0x1  }
0x1: {  	s1 =	rddreg [dreg:$0x0]  }
0x2: {  	s0 =	rddreg [dreg:$0x1]  }
0x3: {  	s2 =	rddreg [dreg:$0x2];
	s4 =	srdreg.scid  }
0x4: {  	s3 =	simm.s32 $0x0;
	s5 =	stileid.u32;
	s13 =	simm.s32 $0x1  }
0x5: {  	s14 =	simm.s32 $0x2;
	s16 =	simm.s32 $0x900;
	s28 =	simm.s32 $0x5900  }
0x6: {  	s29 =	simm.s32 $0x6100;
	s30 =	simm.s32 $0x6900;
	s31 =	simm.s32 $0x7100  }
0x7: {  	s10 =	simm.s32 $0xA100;
	s11 =	simm.s32 $0xA900;
	s12 =	simm.s32 $0xB100  }
0x8: {  	s4 =	sand.u32 $0x1, s4;
	[smem:$0x7FF] =	sst s3;
	s5 =	sshll.u32 s5, $0xA  }
0x9: {  	s2 =	sadd.s32 $0x2000, s2;
	s6 =	sshll.u32 s4, $0x9;
	s4 =	ssub.s32 $0x2, s4  }
0xa: {  	_ =	strace $0x80000047;
	s5 =	sor.u32 s6, s5;
	s9 =	sshrl.u32 s4, $0x1  }
0xb: {  	s6 =	sshrl.u32 s5, $0x3;
	s7 =	sor.u32 $0x80, s5;
	s18 =	sshll.u32 s5, $0x5  }
0xc: {  	s20 =	sor.u32 $0x100, s5;
	s5 =	sor.u32 $0x180, s5;
	s4 =	ssub.s32 s4, s9  }
0xd: {  	s9 =	simm.s32 $0x9900;
	s6 =	sadd.s32 s0, s6;
	s8 =	sshrl.u32 s7, $0x3  }
0xe: {  	s19 =	sadd.s32 s2, s18;
	s21 =	sshrl.u32 s20, $0x3;
	s7 =	sshll.u32 s7, $0x5  }
0xf: {  	s23 =	sshrl.u32 s5, $0x3;
	s24 =	sshll.u32 s20, $0x5;
	s5 =	sshll.u32 s5, $0x5  }
0x10: {  	s4 =	smax.u32 s4, $0x1;
	s18 =	simm.s32 $0x1900;
	[dreg:$0x4] =	wrdreg s6  }
0x11: {  	s20 =	simm.s32 $0x2900;
	s17 =	sadd.s32 s0, s8;
	[dreg:$0x6] =	wrdreg s19  }
0x12: {  	s6 =	sadd.s32 s0, s21;
	s22 =	sadd.s32 s2, s7;
	s0 =	sadd.s32 s0, s23  }
0x13: {  	s25 =	sadd.s32 s2, s24;
	s26 =	sadd.s32 s2, s5;
	[dreg:$0x5] =	wrdreg s17  }
0x14: {  	s5 =	simm.s32 $0x3;
	s19 =	simm.s32 $0x2100;
	[dreg:$0x7] =	wrdreg s6  }
0x15: {  	s21 =	simm.s32 $0x3100;
	s24 =	simm.s32 $0x4100;
	[dreg:$0x8] =	wrdreg s22  }
0x16: {  	s23 =	simm.s32 $0x80;
	s2 =	simm.s32 $0x8100;
	[dreg:$0x9] =	wrdreg s0  }
0x17: {  	v2 =	vlaneseq.u32;
	s7 =	simm.s32 $0x8900;
	s8 =	simm.s32 $0x9100;
	[dreg:$0xa] =	wrdreg s25  }
0x18: {  	vm0 =	vmmov $0xffff;
	v1 =	vshrl.u32 v2, $0x3;
	[dreg:$0xb] =	wrdreg s26;
	s17 =	simm.s32 $0x1100;
	s22 =	simm.s32 $0x3900  }
0x19: {  	v0 =	vand.u32 $0x7, v2;
	v2 =	vor.u32 $0x8, v2;
	v1 =	vmul.u32 $0x8, v1;
	s25 =	simm.s32 $0x4900;
	s26 =	simm.s32 $0x5100;
	s6 =	simm.s32 $0x7900  }
.LBB2_1:
0x1a: {  	s15 =	rddreg [dreg:$0x4]  }
0x1b: {  	[tilespmem:s3], [sflag:$0x3] =	stream.linear.gather [hbm4b:s15+s3], $0x80, $0x38;
	[tilespmem:$0x10100] =	vst v63  }
0x1c: {  	_ =	swait.ge [sflag:s5], $0x80  }
0x1d: {  	[sflag:s5] =	ssyncset.done $0x0  }
0x1e: {  	[sflag:s5] =	ssyncadd.s32 $0xFFFFFF80  }
0x1f: {  	v3 =	vld [tilespmem:$0x0];
	_ =	sdelay $0x4  }
0x20: {  	v4 =	vshll.u32 v3, $0x1  }
0x21: {  	v3 =	vand.u32 $0x7, v3;
	v4 =	vand.u32 $0xFFFFFFF0, v4  }
0x22: {  	v3 =	vor.u32 v3, v4  }
0x23: {  	v4 =	vperm.xlane v3, v0;
	_ =	sdelay $0x1  }
0x24: {  	v3 =	vperm.xlane v3, v2;
	v4 =	vadd.s32 v1, v4;
	_ =	sdelay $0x1  }
0x25: {  	v3 =	vadd.s32 v1, v3;
	_ =	sdelay $0x1  }
0x26: {  	s0 =	simm.s32 $0x100  }
0x27: {  	[tilespmem:s0], [sflag:$0x1] =	stream.indirect_vreg.gather [hbm4b:s1+s3], $0x80, v4, vm0, $0xb8;
	[tilespmem:$0x10100] =	vst v63  }
0x28: {  	_ = 	snop  }
0x29: {  	[tilespmem:s16], [sflag:$0x1] =	stream.indirect_vreg.gather [hbm4b:s1+s3], $0x80, v3, vm0, $0xb8;
	[tilespmem:$0x10100] =	vst v63  }
0x2a: {  	v3 =	vld [tilespmem:$0x10];
	_ =	sdelay $0x4  }
0x2b: {  	v33 =	vshll.u32 v3, $0x1  }
0x2c: {  	v3 =	vand.u32 $0x7, v3;
	v4 =	vand.u32 $0xFFFFFFF0, v33  }
0x2d: {  	v3 =	vor.u32 v3, v4  }
0x2e: {  	v4 =	vperm.xlane v3, v0;
	_ =	sdelay $0x1  }
0x2f: {  	v3 =	vperm.xlane v3, v2;
	v4 =	vadd.s32 v1, v4;
	_ =	sdelay $0x1  }
0x30: {  	v3 =	vadd.s32 v1, v3;
	_ =	sdelay $0x2  }
0x31: {  	[tilespmem:s17], [sflag:$0x1] =	stream.indirect_vreg.gather [hbm4b:s1+s3], $0x80, v4, vm0, $0xb8;
	[tilespmem:$0x10100] =	vst v63  }
0x32: {  	_ = 	snop  }
0x33: {  	[tilespmem:s18], [sflag:$0x1] =	stream.indirect_vreg.gather [hbm4b:s1+s3], $0x80, v3, vm0, $0xb8;
	[tilespmem:$0x10100] =	vst v63  }
0x34: {  	v3 =	vld [tilespmem:$0x20];
	_ =	sdelay $0x4  }
0x35: {  	v34 =	vshll.u32 v3, $0x1  }
0x36: {  	v3 =	vand.u32 $0x7, v3;
	v4 =	vand.u32 $0xFFFFFFF0, v34  }
0x37: {  	v3 =	vor.u32 v3, v4  }
0x38: {  	v4 =	vperm.xlane v3, v0;
	_ =	sdelay $0x1  }
0x39: {  	v3 =	vperm.xlane v3, v2;
	v4 =	vadd.s32 v1, v4;
	_ =	sdelay $0x1  }
0x3a: {  	v3 =	vadd.s32 v1, v3;
	_ =	sdelay $0x2  }
0x3b: {  	[tilespmem:s19], [sflag:$0x1] =	stream.indirect_vreg.gather [hbm4b:s1+s3], $0x80, v4, vm0, $0xb8;
	[tilespmem:$0x10100] =	vst v63  }
0x3c: {  	_ = 	snop  }
0x3d: {  	[tilespmem:s20], [sflag:$0x1] =	stream.indirect_vreg.gather [hbm4b:s1+s3], $0x80, v3, vm0, $0xb8;
	[tilespmem:$0x10100] =	vst v63  }
0x3e: {  	v3 =	vld [tilespmem:$0x30];
	_ =	sdelay $0x4  }
0x3f: {  	v35 =	vshll.u32 v3, $0x1  }
0x40: {  	v3 =	vand.u32 $0x7, v3;
	v4 =	vand.u32 $0xFFFFFFF0, v35  }
0x41: {  	v3 =	vor.u32 v3, v4  }
0x42: {  	v4 =	vperm.xlane v3, v0;
	_ =	sdelay $0x1  }
0x43: {  	v3 =	vperm.xlane v3, v2;
	v4 =	vadd.s32 v1, v4;
	_ =	sdelay $0x1  }
0x44: {  	v3 =	vadd.s32 v1, v3;
	_ =	sdelay $0x2  }
0x45: {  	[tilespmem:s21], [sflag:$0x1] =	stream.indirect_vreg.gather [hbm4b:s1+s3], $0x80, v4, vm0, $0xb8;
	[tilespmem:$0x10100] =	vst v63  }
0x46: {  	_ = 	snop  }
0x47: {  	[tilespmem:s22], [sflag:$0x1] =	stream.indirect_vreg.gather [hbm4b:s1+s3], $0x80, v3, vm0, $0xb8;
	[tilespmem:$0x10100] =	vst v63  }
0x48: {  	v3 =	vld [tilespmem:$0x40];
	_ =	sdelay $0x4  }
0x49: {  	v36 =	vshll.u32 v3, $0x1  }
0x4a: {  	v3 =	vand.u32 $0x7, v3;
	v4 =	vand.u32 $0xFFFFFFF0, v36  }
0x4b: {  	v3 =	vor.u32 v3, v4  }
0x4c: {  	v4 =	vperm.xlane v3, v0;
	_ =	sdelay $0x1  }
0x4d: {  	v3 =	vperm.xlane v3, v2;
	v4 =	vadd.s32 v1, v4;
	_ =	sdelay $0x1  }
0x4e: {  	v3 =	vadd.s32 v1, v3;
	_ =	sdelay $0x2  }
0x4f: {  	[tilespmem:s24], [sflag:$0x1] =	stream.indirect_vreg.gather [hbm4b:s1+s3], $0x80, v4, vm0, $0xb8;
	[tilespmem:$0x10100] =	vst v63  }
0x50: {  	_ = 	snop  }
0x51: {  	[tilespmem:s25], [sflag:$0x1] =	stream.indirect_vreg.gather [hbm4b:s1+s3], $0x80, v3, vm0, $0xb8;
	[tilespmem:$0x10100] =	vst v63  }
0x52: {  	v3 =	vld [tilespmem:$0x50];
	_ =	sdelay $0x4  }
0x53: {  	v37 =	vshll.u32 v3, $0x1  }
0x54: {  	v3 =	vand.u32 $0x7, v3;
	v4 =	vand.u32 $0xFFFFFFF0, v37  }
0x55: {  	v3 =	vor.u32 v3, v4  }
0x56: {  	v4 =	vperm.xlane v3, v0;
	_ =	sdelay $0x1  }
0x57: {  	v3 =	vperm.xlane v3, v2;
	v4 =	vadd.s32 v1, v4;
	_ =	sdelay $0x1  }
0x58: {  	v3 =	vadd.s32 v1, v3;
	_ =	sdelay $0x2  }
0x59: {  	[tilespmem:s26], [sflag:$0x1] =	stream.indirect_vreg.gather [hbm4b:s1+s3], $0x80, v4, vm0, $0xb8;
	[tilespmem:$0x10100] =	vst v63  }
0x5a: {  	_ = 	snop  }
0x5b: {  	[tilespmem:s28], [sflag:$0x1] =	stream.indirect_vreg.gather [hbm4b:s1+s3], $0x80, v3, vm0, $0xb8;
	[tilespmem:$0x10100] =	vst v63  }
0x5c: {  	v3 =	vld [tilespmem:$0x60];
	_ =	sdelay $0x4  }
0x5d: {  	v38 =	vshll.u32 v3, $0x1  }
0x5e: {  	v3 =	vand.u32 $0x7, v3;
	v4 =	vand.u32 $0xFFFFFFF0, v38  }
0x5f: {  	v3 =	vor.u32 v3, v4  }
0x60: {  	v4 =	vperm.xlane v3, v0;
	_ =	sdelay $0x1  }
0x61: {  	v3 =	vperm.xlane v3, v2;
	v4 =	vadd.s32 v1, v4;
	_ =	sdelay $0x1  }
0x62: {  	v3 =	vadd.s32 v1, v3;
	_ =	sdelay $0x2  }
0x63: {  	[tilespmem:s29], [sflag:$0x1] =	stream.indirect_vreg.gather [hbm4b:s1+s3], $0x80, v4, vm0, $0xb8;
	[tilespmem:$0x10100] =	vst v63  }
0x64: {  	_ = 	snop  }
0x65: {  	[tilespmem:s30], [sflag:$0x1] =	stream.indirect_vreg.gather [hbm4b:s1+s3], $0x80, v3, vm0, $0xb8;
	[tilespmem:$0x10100] =	vst v63  }
0x66: {  	v3 =	vld [tilespmem:$0x70];
	_ =	sdelay $0x4  }
0x67: {  	v39 =	vshll.u32 v3, $0x1  }
0x68: {  	v3 =	vand.u32 $0x7, v3;
	v4 =	vand.u32 $0xFFFFFFF0, v39  }
0x69: {  	v3 =	vor.u32 v3, v4  }
0x6a: {  	v4 =	vperm.xlane v3, v0;
	_ =	sdelay $0x1  }
0x6b: {  	v3 =	vperm.xlane v3, v2;
	v4 =	vadd.s32 v1, v4;
	_ =	sdelay $0x1  }
0x6c: {  	v3 =	vadd.s32 v1, v3;
	_ =	sdelay $0x2  }
0x6d: {  	[tilespmem:s31], [sflag:$0x1] =	stream.indirect_vreg.gather [hbm4b:s1+s3], $0x80, v4, vm0, $0xb8;
	[tilespmem:$0x10100] =	vst v63  }
0x6e: {  	_ = 	snop  }
0x6f: {  	[tilespmem:s6], [sflag:$0x1] =	stream.indirect_vreg.gather [hbm4b:s1+s3], $0x80, v3, vm0, $0xb8;
	[tilespmem:$0x10100] =	vst v63  }
0x70: {  	s0 =	rddreg [dreg:$0x5]  }
0x71: {  	[tilespmem:s23], [sflag:$0x3] =	stream.linear.gather [hbm4b:s0+s3], $0x80, $0x38;
	[tilespmem:$0x10100] =	vst v63  }
0x72: {  	_ =	swait.ge [sflag:s5], $0x80  }
0x73: {  	[sflag:s5] =	ssyncset.done $0x0  }
0x74: {  	[sflag:s5] =	ssyncadd.s32 $0xFFFFFF80  }
0x75: {  	v3 =	vld [tilespmem:$0x80];
	_ =	sdelay $0x4  }
0x76: {  	v40 =	vshll.u32 v3, $0x1  }
0x77: {  	v3 =	vand.u32 $0x7, v3;
	v4 =	vand.u32 $0xFFFFFFF0, v40  }
0x78: {  	v3 =	vor.u32 v3, v4  }
0x79: {  	v4 =	vperm.xlane v3, v0;
	_ =	sdelay $0x1  }
0x7a: {  	v3 =	vperm.xlane v3, v2;
	v4 =	vadd.s32 v1, v4;
	_ =	sdelay $0x1  }
0x7b: {  	v3 =	vadd.s32 v1, v3;
	_ =	sdelay $0x2  }
0x7c: {  	[tilespmem:s2], [sflag:$0x1] =	stream.indirect_vreg.gather [hbm4b:s1+s3], $0x80, v4, vm0, $0xb8;
	[tilespmem:$0x10100] =	vst v63  }
0x7d: {  	_ = 	snop  }
0x7e: {  	[tilespmem:s7], [sflag:$0x1] =	stream.indirect_vreg.gather [hbm4b:s1+s3], $0x80, v3, vm0, $0xb8;
	[tilespmem:$0x10100] =	vst v63  }
0x7f: {  	v3 =	vld [tilespmem:$0x90];
	_ =	sdelay $0x4  }
0x80: {  	v41 =	vshll.u32 v3, $0x1  }
0x81: {  	v3 =	vand.u32 $0x7, v3;
	v4 =	vand.u32 $0xFFFFFFF0, v41  }
0x82: {  	v3 =	vor.u32 v3, v4  }
0x83: {  	v4 =	vperm.xlane v3, v0;
	_ =	sdelay $0x1  }
0x84: {  	v3 =	vperm.xlane v3, v2;
	v4 =	vadd.s32 v1, v4;
	_ =	sdelay $0x1  }
0x85: {  	v3 =	vadd.s32 v1, v3;
	_ =	sdelay $0x2  }
0x86: {  	[tilespmem:s8], [sflag:$0x1] =	stream.indirect_vreg.gather [hbm4b:s1+s3], $0x80, v4, vm0, $0xb8;
	[tilespmem:$0x10100] =	vst v63  }
0x87: {  	_ = 	snop  }
0x88: {  	[tilespmem:s9], [sflag:$0x1] =	stream.indirect_vreg.gather [hbm4b:s1+s3], $0x80, v3, vm0, $0xb8;
	[tilespmem:$0x10100] =	vst v63  }
0x89: {  	v3 =	vld [tilespmem:$0xA0];
	_ =	sdelay $0x4  }
0x8a: {  	v42 =	vshll.u32 v3, $0x1  }
0x8b: {  	v3 =	vand.u32 $0x7, v3;
	v4 =	vand.u32 $0xFFFFFFF0, v42  }
0x8c: {  	v3 =	vor.u32 v3, v4  }
0x8d: {  	v4 =	vperm.xlane v3, v0;
	_ =	sdelay $0x1  }
0x8e: {  	v3 =	vperm.xlane v3, v2;
	v4 =	vadd.s32 v1, v4;
	_ =	sdelay $0x1  }
0x8f: {  	v3 =	vadd.s32 v1, v3;
	_ =	sdelay $0x2  }
0x90: {  	[tilespmem:s10], [sflag:$0x1] =	stream.indirect_vreg.gather [hbm4b:s1+s3], $0x80, v4, vm0, $0xb8;
	[tilespmem:$0x10100] =	vst v63  }
0x91: {  	_ = 	snop  }
0x92: {  	[tilespmem:s11], [sflag:$0x1] =	stream.indirect_vreg.gather [hbm4b:s1+s3], $0x80, v3, vm0, $0xb8;
	[tilespmem:$0x10100] =	vst v63  }
0x93: {  	v3 =	vld [tilespmem:$0xB0];
	_ =	sdelay $0x4  }
0x94: {  	v43 =	vshll.u32 v3, $0x1  }
0x95: {  	v3 =	vand.u32 $0x7, v3;
	v4 =	vand.u32 $0xFFFFFFF0, v43  }
0x96: {  	v3 =	vor.u32 v3, v4  }
0x97: {  	v4 =	vperm.xlane v3, v0;
	_ =	sdelay $0x1  }
0x98: {  	v3 =	vperm.xlane v3, v2;
	v4 =	vadd.s32 v1, v4;
	_ =	sdelay $0x1  }
0x99: {  	v3 =	vadd.s32 v1, v3;
	_ =	sdelay $0x2  }
0x9a: {  	[tilespmem:s12], [sflag:$0x1] =	stream.indirect_vreg.gather [hbm4b:s1+s3], $0x80, v4, vm0, $0xb8;
	[tilespmem:$0x10100] =	vst v63  }
0x9b: {  	s15 =	simm.s32 $0xB900  }
0x9c: {  	[tilespmem:s15], [sflag:$0x1] =	stream.indirect_vreg.gather [hbm4b:s1+s3], $0x80, v3, vm0, $0xb8;
	[tilespmem:$0x10100] =	vst v63  }
0x9d: {  	v3 =	vld [tilespmem:$0xC0];
	_ =	sdelay $0x4  }
0x9e: {  	v44 =	vshll.u32 v3, $0x1  }
0x9f: {  	v3 =	vand.u32 $0x7, v3;
	v4 =	vand.u32 $0xFFFFFFF0, v44  }
0xa0: {  	v3 =	vor.u32 v3, v4  }
0xa1: {  	v4 =	vperm.xlane v3, v0;
	_ =	sdelay $0x1  }
0xa2: {  	v3 =	vperm.xlane v3, v2;
	v4 =	vadd.s32 v1, v4;
	_ =	sdelay $0x1  }
0xa3: {  	v3 =	vadd.s32 v1, v3;
	_ =	sdelay $0x1  }
0xa4: {  	s15 =	simm.s32 $0xC100  }
0xa5: {  	[tilespmem:s15], [sflag:$0x1] =	stream.indirect_vreg.gather [hbm4b:s1+s3], $0x80, v4, vm0, $0xb8;
	[tilespmem:$0x10100] =	vst v63  }
0xa6: {  	s15 =	simm.s32 $0xC900  }
0xa7: {  	[tilespmem:s15], [sflag:$0x1] =	stream.indirect_vreg.gather [hbm4b:s1+s3], $0x80, v3, vm0, $0xb8;
	[tilespmem:$0x10100] =	vst v63  }
0xa8: {  	v3 =	vld [tilespmem:$0xD0];
	_ =	sdelay $0x4  }
0xa9: {  	v45 =	vshll.u32 v3, $0x1  }
0xaa: {  	v3 =	vand.u32 $0x7, v3;
	v4 =	vand.u32 $0xFFFFFFF0, v45  }
0xab: {  	v3 =	vor.u32 v3, v4  }
0xac: {  	v4 =	vperm.xlane v3, v0;
	_ =	sdelay $0x1  }
0xad: {  	v3 =	vperm.xlane v3, v2;
	v4 =	vadd.s32 v1, v4;
	_ =	sdelay $0x1  }
0xae: {  	v3 =	vadd.s32 v1, v3;
	_ =	sdelay $0x1  }
0xaf: {  	s15 =	simm.s32 $0xD100  }
0xb0: {  	[tilespmem:s15], [sflag:$0x1] =	stream.indirect_vreg.gather [hbm4b:s1+s3], $0x80, v4, vm0, $0xb8;
	[tilespmem:$0x10100] =	vst v63  }
0xb1: {  	s15 =	simm.s32 $0xD900  }
0xb2: {  	[tilespmem:s15], [sflag:$0x1] =	stream.indirect_vreg.gather [hbm4b:s1+s3], $0x80, v3, vm0, $0xb8;
	[tilespmem:$0x10100] =	vst v63  }
0xb3: {  	v3 =	vld [tilespmem:$0xE0];
	_ =	sdelay $0x4  }
0xb4: {  	v46 =	vshll.u32 v3, $0x1  }
0xb5: {  	v3 =	vand.u32 $0x7, v3;
	v4 =	vand.u32 $0xFFFFFFF0, v46  }
0xb6: {  	v3 =	vor.u32 v3, v4  }
0xb7: {  	v4 =	vperm.xlane v3, v0;
	_ =	sdelay $0x1  }
0xb8: {  	v3 =	vperm.xlane v3, v2;
	v4 =	vadd.s32 v1, v4;
	_ =	sdelay $0x1  }
0xb9: {  	v3 =	vadd.s32 v1, v3;
	_ =	sdelay $0x1  }
0xba: {  	s15 =	simm.s32 $0xE100  }
0xbb: {  	[tilespmem:s15], [sflag:$0x1] =	stream.indirect_vreg.gather [hbm4b:s1+s3], $0x80, v4, vm0, $0xb8;
	[tilespmem:$0x10100] =	vst v63  }
0xbc: {  	s15 =	simm.s32 $0xE900  }
0xbd: {  	[tilespmem:s15], [sflag:$0x1] =	stream.indirect_vreg.gather [hbm4b:s1+s3], $0x80, v3, vm0, $0xb8;
	[tilespmem:$0x10100] =	vst v63  }
0xbe: {  	v3 =	vld [tilespmem:$0xF0];
	_ =	sdelay $0x4  }
0xbf: {  	v47 =	vshll.u32 v3, $0x1  }
0xc0: {  	v3 =	vand.u32 $0x7, v3;
	v4 =	vand.u32 $0xFFFFFFF0, v47  }
0xc1: {  	v3 =	vor.u32 v3, v4  }
0xc2: {  	v4 =	vperm.xlane v3, v0;
	_ =	sdelay $0x1  }
0xc3: {  	v3 =	vperm.xlane v3, v2;
	v4 =	vadd.s32 v1, v4;
	_ =	sdelay $0x1  }
0xc4: {  	v3 =	vadd.s32 v1, v3;
	_ =	sdelay $0x1  }
0xc5: {  	s15 =	simm.s32 $0xF100  }
0xc6: {  	[tilespmem:s15], [sflag:$0x1] =	stream.indirect_vreg.gather [hbm4b:s1+s3], $0x80, v4, vm0, $0xb8;
	[tilespmem:$0x10100] =	vst v63  }
0xc7: {  	s15 =	simm.s32 $0xF900  }
0xc8: {  	[tilespmem:s15], [sflag:$0x1] =	stream.indirect_vreg.gather [hbm4b:s1+s3], $0x80, v3, vm0, $0xb8;
	[tilespmem:$0x10100] =	vst v63  }
0xc9: {  	_ =	swait.ge [sflag:s13], $0x8000  }
0xca: {  	[sflag:s13] =	ssyncset.done $0x0  }
0xcb: {  	s0 =	simm.s32 $0x100;
	s15 =	rddreg [dreg:$0x6];
	[sflag:s13] =	ssyncadd.s32 $0xFFFF8000  }
0xcc: {  	[hbm4b:s15+s3] =	stream.linear.scatter [tilespmem:s0], [sflag:$0x2], $0x8000, $0x38;
	[tilespmem:$0x10100] =	vst v63  }
0xcd: {  	_ =	swait.ge [sflag:s14], $0x8000  }
0xce: {  	[sflag:s14] =	ssyncset.done $0x0  }
0xcf: {  	s15 =	rddreg [dreg:$0x7];
	[sflag:s14] =	ssyncadd.s32 $0xFFFF8000  }
0xd0: {  	[tilespmem:s3], [sflag:$0x3] =	stream.linear.gather [hbm4b:s15+s3], $0x80, $0x38;
	[tilespmem:$0x10100] =	vst v63  }
0xd1: {  	_ =	swait.ge [sflag:s5], $0x80  }
0xd2: {  	[sflag:s5] =	ssyncset.done $0x0  }
0xd3: {  	[sflag:s5] =	ssyncadd.s32 $0xFFFFFF80  }
0xd4: {  	v3 =	vld [tilespmem:$0x0];
	_ =	sdelay $0x4  }
0xd5: {  	v48 =	vshll.u32 v3, $0x1  }
0xd6: {  	v3 =	vand.u32 $0x7, v3;
	v4 =	vand.u32 $0xFFFFFFF0, v48  }
0xd7: {  	v3 =	vor.u32 v3, v4  }
0xd8: {  	v4 =	vperm.xlane v3, v0;
	_ =	sdelay $0x1  }
0xd9: {  	v3 =	vperm.xlane v3, v2;
	v4 =	vadd.s32 v1, v4;
	_ =	sdelay $0x1  }
0xda: {  	v3 =	vadd.s32 v1, v3;
	_ =	sdelay $0x2  }
0xdb: {  	[tilespmem:s0], [sflag:$0x1] =	stream.indirect_vreg.gather [hbm4b:s1+s3], $0x80, v4, vm0, $0xb8;
	[tilespmem:$0x10100] =	vst v63  }
0xdc: {  	_ = 	snop  }
0xdd: {  	[tilespmem:s16], [sflag:$0x1] =	stream.indirect_vreg.gather [hbm4b:s1+s3], $0x80, v3, vm0, $0xb8;
	[tilespmem:$0x10100] =	vst v63  }
0xde: {  	v3 =	vld [tilespmem:$0x10];
	_ =	sdelay $0x4  }
0xdf: {  	v49 =	vshll.u32 v3, $0x1  }
0xe0: {  	v3 =	vand.u32 $0x7, v3;
	v4 =	vand.u32 $0xFFFFFFF0, v49  }
0xe1: {  	v3 =	vor.u32 v3, v4  }
0xe2: {  	v4 =	vperm.xlane v3, v0;
	_ =	sdelay $0x1  }
0xe3: {  	v3 =	vperm.xlane v3, v2;
	v4 =	vadd.s32 v1, v4;
	_ =	sdelay $0x1  }
0xe4: {  	v3 =	vadd.s32 v1, v3;
	_ =	sdelay $0x2  }
0xe5: {  	[tilespmem:s17], [sflag:$0x1] =	stream.indirect_vreg.gather [hbm4b:s1+s3], $0x80, v4, vm0, $0xb8;
	[tilespmem:$0x10100] =	vst v63  }
0xe6: {  	_ = 	snop  }
0xe7: {  	[tilespmem:s18], [sflag:$0x1] =	stream.indirect_vreg.gather [hbm4b:s1+s3], $0x80, v3, vm0, $0xb8;
	[tilespmem:$0x10100] =	vst v63  }
0xe8: {  	v3 =	vld [tilespmem:$0x20];
	_ =	sdelay $0x4  }
0xe9: {  	v50 =	vshll.u32 v3, $0x1  }
0xea: {  	v3 =	vand.u32 $0x7, v3;
	v4 =	vand.u32 $0xFFFFFFF0, v50  }
0xeb: {  	v3 =	vor.u32 v3, v4  }
0xec: {  	v4 =	vperm.xlane v3, v0;
	_ =	sdelay $0x1  }
0xed: {  	v3 =	vperm.xlane v3, v2;
	v4 =	vadd.s32 v1, v4;
	_ =	sdelay $0x1  }
0xee: {  	v3 =	vadd.s32 v1, v3;
	_ =	sdelay $0x2  }
0xef: {  	[tilespmem:s19], [sflag:$0x1] =	stream.indirect_vreg.gather [hbm4b:s1+s3], $0x80, v4, vm0, $0xb8;
	[tilespmem:$0x10100] =	vst v63  }
0xf0: {  	_ = 	snop  }
0xf1: {  	[tilespmem:s20], [sflag:$0x1] =	stream.indirect_vreg.gather [hbm4b:s1+s3], $0x80, v3, vm0, $0xb8;
	[tilespmem:$0x10100] =	vst v63  }
0xf2: {  	v3 =	vld [tilespmem:$0x30];
	_ =	sdelay $0x4  }
0xf3: {  	v51 =	vshll.u32 v3, $0x1  }
0xf4: {  	v3 =	vand.u32 $0x7, v3;
	v4 =	vand.u32 $0xFFFFFFF0, v51  }
0xf5: {  	v3 =	vor.u32 v3, v4  }
0xf6: {  	v4 =	vperm.xlane v3, v0;
	_ =	sdelay $0x1  }
0xf7: {  	v3 =	vperm.xlane v3, v2;
	v4 =	vadd.s32 v1, v4;
	_ =	sdelay $0x1  }
0xf8: {  	v3 =	vadd.s32 v1, v3;
	_ =	sdelay $0x2  }
0xf9: {  	[tilespmem:s21], [sflag:$0x1] =	stream.indirect_vreg.gather [hbm4b:s1+s3], $0x80, v4, vm0, $0xb8;
	[tilespmem:$0x10100] =	vst v63  }
0xfa: {  	_ = 	snop  }
0xfb: {  	[tilespmem:s22], [sflag:$0x1] =	stream.indirect_vreg.gather [hbm4b:s1+s3], $0x80, v3, vm0, $0xb8;
	[tilespmem:$0x10100] =	vst v63  }
0xfc: {  	v3 =	vld [tilespmem:$0x40];
	_ =	sdelay $0x4  }
0xfd: {  	v52 =	vshll.u32 v3, $0x1  }
0xfe: {  	v3 =	vand.u32 $0x7, v3;
	v4 =	vand.u32 $0xFFFFFFF0, v52  }
0xff: {  	v3 =	vor.u32 v3, v4  }
0x100: {  	v4 =	vperm.xlane v3, v0;
	_ =	sdelay $0x1  }
0x101: {  	v3 =	vperm.xlane v3, v2;
	v4 =	vadd.s32 v1, v4;
	_ =	sdelay $0x1  }
0x102: {  	v3 =	vadd.s32 v1, v3;
	_ =	sdelay $0x2  }
0x103: {  	[tilespmem:s24], [sflag:$0x1] =	stream.indirect_vreg.gather [hbm4b:s1+s3], $0x80, v4, vm0, $0xb8;
	[tilespmem:$0x10100] =	vst v63  }
0x104: {  	_ = 	snop  }
0x105: {  	[tilespmem:s25], [sflag:$0x1] =	stream.indirect_vreg.gather [hbm4b:s1+s3], $0x80, v3, vm0, $0xb8;
	[tilespmem:$0x10100] =	vst v63  }
0x106: {  	v3 =	vld [tilespmem:$0x50];
	_ =	sdelay $0x4  }
0x107: {  	v53 =	vshll.u32 v3, $0x1  }
0x108: {  	v3 =	vand.u32 $0x7, v3;
	v4 =	vand.u32 $0xFFFFFFF0, v53  }
0x109: {  	v3 =	vor.u32 v3, v4  }
0x10a: {  	v4 =	vperm.xlane v3, v0;
	_ =	sdelay $0x1  }
0x10b: {  	v3 =	vperm.xlane v3, v2;
	v4 =	vadd.s32 v1, v4;
	_ =	sdelay $0x1  }
0x10c: {  	v3 =	vadd.s32 v1, v3;
	_ =	sdelay $0x2  }
0x10d: {  	[tilespmem:s26], [sflag:$0x1] =	stream.indirect_vreg.gather [hbm4b:s1+s3], $0x80, v4, vm0, $0xb8;
	[tilespmem:$0x10100] =	vst v63  }
0x10e: {  	_ = 	snop  }
0x10f: {  	[tilespmem:s28], [sflag:$0x1] =	stream.indirect_vreg.gather [hbm4b:s1+s3], $0x80, v3, vm0, $0xb8;
	[tilespmem:$0x10100] =	vst v63  }
0x110: {  	v3 =	vld [tilespmem:$0x60];
	_ =	sdelay $0x4  }
0x111: {  	v54 =	vshll.u32 v3, $0x1  }
0x112: {  	v3 =	vand.u32 $0x7, v3;
	v4 =	vand.u32 $0xFFFFFFF0, v54  }
0x113: {  	v3 =	vor.u32 v3, v4  }
0x114: {  	v4 =	vperm.xlane v3, v0;
	_ =	sdelay $0x1  }
0x115: {  	v3 =	vperm.xlane v3, v2;
	v4 =	vadd.s32 v1, v4;
	_ =	sdelay $0x1  }
0x116: {  	v3 =	vadd.s32 v1, v3;
	_ =	sdelay $0x2  }
0x117: {  	[tilespmem:s29], [sflag:$0x1] =	stream.indirect_vreg.gather [hbm4b:s1+s3], $0x80, v4, vm0, $0xb8;
	[tilespmem:$0x10100] =	vst v63  }
0x118: {  	_ = 	snop  }
0x119: {  	[tilespmem:s30], [sflag:$0x1] =	stream.indirect_vreg.gather [hbm4b:s1+s3], $0x80, v3, vm0, $0xb8;
	[tilespmem:$0x10100] =	vst v63  }
0x11a: {  	v3 =	vld [tilespmem:$0x70];
	_ =	sdelay $0x4  }
0x11b: {  	v55 =	vshll.u32 v3, $0x1  }
0x11c: {  	v3 =	vand.u32 $0x7, v3;
	v4 =	vand.u32 $0xFFFFFFF0, v55  }
0x11d: {  	v3 =	vor.u32 v3, v4  }
0x11e: {  	v4 =	vperm.xlane v3, v0;
	_ =	sdelay $0x1  }
0x11f: {  	v3 =	vperm.xlane v3, v2;
	v4 =	vadd.s32 v1, v4;
	_ =	sdelay $0x1  }
0x120: {  	v3 =	vadd.s32 v1, v3;
	_ =	sdelay $0x2  }
0x121: {  	[tilespmem:s31], [sflag:$0x1] =	stream.indirect_vreg.gather [hbm4b:s1+s3], $0x80, v4, vm0, $0xb8;
	[tilespmem:$0x10100] =	vst v63  }
0x122: {  	_ = 	snop  }
0x123: {  	[tilespmem:s6], [sflag:$0x1] =	stream.indirect_vreg.gather [hbm4b:s1+s3], $0x80, v3, vm0, $0xb8;
	[tilespmem:$0x10100] =	vst v63  }
0x124: {  	_ =	swait.ge [sflag:s13], $0x8000  }
0x125: {  	[sflag:s13] =	ssyncset.done $0x0  }
0x126: {  	s0 =	rddreg [dreg:$0x8];
	[sflag:s13] =	ssyncadd.s32 $0xFFFF8000  }
0x127: {  	[hbm4b:s0+s3] =	stream.linear.scatter [tilespmem:s2], [sflag:$0x2], $0x8000, $0x38;
	[tilespmem:$0x10100] =	vst v63  }
0x128: {  	_ =	swait.ge [sflag:s14], $0x8000  }
0x129: {  	[sflag:s14] =	ssyncset.done $0x0  }
0x12a: {  	s0 =	rddreg [dreg:$0x9];
	[sflag:s14] =	ssyncadd.s32 $0xFFFF8000  }
0x12b: {  	[tilespmem:s23], [sflag:$0x3] =	stream.linear.gather [hbm4b:s0+s3], $0x80, $0x38;
	[tilespmem:$0x10100] =	vst v63  }
0x12c: {  	_ =	swait.ge [sflag:s5], $0x80  }
0x12d: {  	[sflag:s5] =	ssyncset.done $0x0  }
0x12e: {  	[sflag:s5] =	ssyncadd.s32 $0xFFFFFF80  }
0x12f: {  	v3 =	vld [tilespmem:$0x80];
	_ =	sdelay $0x4  }
0x130: {  	v56 =	vshll.u32 v3, $0x1  }
0x131: {  	v3 =	vand.u32 $0x7, v3;
	v4 =	vand.u32 $0xFFFFFFF0, v56  }
0x132: {  	v3 =	vor.u32 v3, v4  }
0x133: {  	v4 =	vperm.xlane v3, v0;
	_ =	sdelay $0x1  }
0x134: {  	v3 =	vperm.xlane v3, v2;
	v4 =	vadd.s32 v1, v4;
	_ =	sdelay $0x1  }
0x135: {  	v3 =	vadd.s32 v1, v3;
	_ =	sdelay $0x2  }
0x136: {  	[tilespmem:s2], [sflag:$0x1] =	stream.indirect_vreg.gather [hbm4b:s1+s3], $0x80, v4, vm0, $0xb8;
	[tilespmem:$0x10100] =	vst v63  }
0x137: {  	_ = 	snop  }
0x138: {  	[tilespmem:s7], [sflag:$0x1] =	stream.indirect_vreg.gather [hbm4b:s1+s3], $0x80, v3, vm0, $0xb8;
	[tilespmem:$0x10100] =	vst v63  }
0x139: {  	v3 =	vld [tilespmem:$0x90];
	_ =	sdelay $0x4  }
0x13a: {  	v57 =	vshll.u32 v3, $0x1  }
0x13b: {  	v3 =	vand.u32 $0x7, v3;
	v4 =	vand.u32 $0xFFFFFFF0, v57  }
0x13c: {  	v3 =	vor.u32 v3, v4  }
0x13d: {  	v4 =	vperm.xlane v3, v0;
	_ =	sdelay $0x1  }
0x13e: {  	v3 =	vperm.xlane v3, v2;
	v4 =	vadd.s32 v1, v4;
	_ =	sdelay $0x1  }
0x13f: {  	v3 =	vadd.s32 v1, v3;
	_ =	sdelay $0x2  }
0x140: {  	[tilespmem:s8], [sflag:$0x1] =	stream.indirect_vreg.gather [hbm4b:s1+s3], $0x80, v4, vm0, $0xb8;
	[tilespmem:$0x10100] =	vst v63  }
0x141: {  	_ = 	snop  }
0x142: {  	[tilespmem:s9], [sflag:$0x1] =	stream.indirect_vreg.gather [hbm4b:s1+s3], $0x80, v3, vm0, $0xb8;
	[tilespmem:$0x10100] =	vst v63  }
0x143: {  	v3 =	vld [tilespmem:$0xA0];
	_ =	sdelay $0x4  }
0x144: {  	v58 =	vshll.u32 v3, $0x1  }
0x145: {  	v3 =	vand.u32 $0x7, v3;
	v4 =	vand.u32 $0xFFFFFFF0, v58  }
0x146: {  	v3 =	vor.u32 v3, v4  }
0x147: {  	v4 =	vperm.xlane v3, v0;
	_ =	sdelay $0x1  }
0x148: {  	v3 =	vperm.xlane v3, v2;
	v4 =	vadd.s32 v1, v4;
	_ =	sdelay $0x1  }
0x149: {  	v3 =	vadd.s32 v1, v3;
	_ =	sdelay $0x2  }
0x14a: {  	[tilespmem:s10], [sflag:$0x1] =	stream.indirect_vreg.gather [hbm4b:s1+s3], $0x80, v4, vm0, $0xb8;
	[tilespmem:$0x10100] =	vst v63  }
0x14b: {  	_ = 	snop  }
0x14c: {  	[tilespmem:s11], [sflag:$0x1] =	stream.indirect_vreg.gather [hbm4b:s1+s3], $0x80, v3, vm0, $0xb8;
	[tilespmem:$0x10100] =	vst v63  }
0x14d: {  	v3 =	vld [tilespmem:$0xB0];
	_ =	sdelay $0x4  }
0x14e: {  	v59 =	vshll.u32 v3, $0x1  }
0x14f: {  	v3 =	vand.u32 $0x7, v3;
	v4 =	vand.u32 $0xFFFFFFF0, v59  }
0x150: {  	v3 =	vor.u32 v3, v4  }
0x151: {  	v4 =	vperm.xlane v3, v0;
	_ =	sdelay $0x1  }
0x152: {  	v3 =	vperm.xlane v3, v2;
	v4 =	vadd.s32 v1, v4;
	_ =	sdelay $0x1  }
0x153: {  	v3 =	vadd.s32 v1, v3;
	_ =	sdelay $0x2  }
0x154: {  	[tilespmem:s12], [sflag:$0x1] =	stream.indirect_vreg.gather [hbm4b:s1+s3], $0x80, v4, vm0, $0xb8;
	[tilespmem:$0x10100] =	vst v63  }
0x155: {  	s15 =	simm.s32 $0xB900  }
0x156: {  	[tilespmem:s15], [sflag:$0x1] =	stream.indirect_vreg.gather [hbm4b:s1+s3], $0x80, v3, vm0, $0xb8;
	[tilespmem:$0x10100] =	vst v63  }
0x157: {  	v3 =	vld [tilespmem:$0xC0];
	_ =	sdelay $0x4  }
0x158: {  	v60 =	vshll.u32 v3, $0x1  }
0x159: {  	v3 =	vand.u32 $0x7, v3;
	v4 =	vand.u32 $0xFFFFFFF0, v60  }
0x15a: {  	v3 =	vor.u32 v3, v4  }
0x15b: {  	v4 =	vperm.xlane v3, v0;
	_ =	sdelay $0x1  }
0x15c: {  	v3 =	vperm.xlane v3, v2;
	v4 =	vadd.s32 v1, v4;
	_ =	sdelay $0x1  }
0x15d: {  	v3 =	vadd.s32 v1, v3;
	_ =	sdelay $0x1  }
0x15e: {  	s15 =	simm.s32 $0xC100  }
0x15f: {  	[tilespmem:s15], [sflag:$0x1] =	stream.indirect_vreg.gather [hbm4b:s1+s3], $0x80, v4, vm0, $0xb8;
	[tilespmem:$0x10100] =	vst v63  }
0x160: {  	s15 =	simm.s32 $0xC900  }
0x161: {  	[tilespmem:s15], [sflag:$0x1] =	stream.indirect_vreg.gather [hbm4b:s1+s3], $0x80, v3, vm0, $0xb8;
	[tilespmem:$0x10100] =	vst v63  }
0x162: {  	v3 =	vld [tilespmem:$0xD0];
	_ =	sdelay $0x4  }
0x163: {  	v61 =	vshll.u32 v3, $0x1  }
0x164: {  	v3 =	vand.u32 $0x7, v3;
	v4 =	vand.u32 $0xFFFFFFF0, v61  }
0x165: {  	v3 =	vor.u32 v3, v4  }
0x166: {  	v4 =	vperm.xlane v3, v0;
	_ =	sdelay $0x1  }
0x167: {  	v3 =	vperm.xlane v3, v2;
	v4 =	vadd.s32 v1, v4;
	_ =	sdelay $0x1  }
0x168: {  	v3 =	vadd.s32 v1, v3;
	_ =	sdelay $0x1  }
0x169: {  	s15 =	simm.s32 $0xD100  }
0x16a: {  	[tilespmem:s15], [sflag:$0x1] =	stream.indirect_vreg.gather [hbm4b:s1+s3], $0x80, v4, vm0, $0xb8;
	[tilespmem:$0x10100] =	vst v63  }
0x16b: {  	s15 =	simm.s32 $0xD900  }
0x16c: {  	[tilespmem:s15], [sflag:$0x1] =	stream.indirect_vreg.gather [hbm4b:s1+s3], $0x80, v3, vm0, $0xb8;
	[tilespmem:$0x10100] =	vst v63  }
0x16d: {  	v3 =	vld [tilespmem:$0xE0];
	_ =	sdelay $0x4  }
0x16e: {  	v62 =	vshll.u32 v3, $0x1  }
0x16f: {  	v3 =	vand.u32 $0x7, v3;
	v4 =	vand.u32 $0xFFFFFFF0, v62  }
0x170: {  	v3 =	vor.u32 v3, v4  }
0x171: {  	v4 =	vperm.xlane v3, v0;
	_ =	sdelay $0x1  }
0x172: {  	v3 =	vperm.xlane v3, v2;
	v4 =	vadd.s32 v1, v4;
	_ =	sdelay $0x1  }
0x173: {  	v3 =	vadd.s32 v1, v3;
	_ =	sdelay $0x1  }
0x174: {  	s15 =	simm.s32 $0xE100  }
0x175: {  	[tilespmem:s15], [sflag:$0x1] =	stream.indirect_vreg.gather [hbm4b:s1+s3], $0x80, v4, vm0, $0xb8;
	[tilespmem:$0x10100] =	vst v63  }
0x176: {  	s15 =	simm.s32 $0xE900  }
0x177: {  	[tilespmem:s15], [sflag:$0x1] =	stream.indirect_vreg.gather [hbm4b:s1+s3], $0x80, v3, vm0, $0xb8;
	[tilespmem:$0x10100] =	vst v63  }
0x178: {  	v3 =	vld [tilespmem:$0xF0];
	_ =	sdelay $0x4  }
0x179: {  	v63 =	vshll.u32 v3, $0x1  }
0x17a: {  	v3 =	vand.u32 $0x7, v3;
	v4 =	vand.u32 $0xFFFFFFF0, v63  }
0x17b: {  	v3 =	vor.u32 v3, v4  }
0x17c: {  	v4 =	vperm.xlane v3, v0;
	_ =	sdelay $0x1  }
0x17d: {  	v3 =	vperm.xlane v3, v2;
	v4 =	vadd.s32 v1, v4;
	_ =	sdelay $0x1  }
0x17e: {  	v3 =	vadd.s32 v1, v3;
	_ =	sdelay $0x1  }
0x17f: {  	s15 =	simm.s32 $0xF100  }
0x180: {  	[tilespmem:s15], [sflag:$0x1] =	stream.indirect_vreg.gather [hbm4b:s1+s3], $0x80, v4, vm0, $0xb8;
	[tilespmem:$0x10100] =	vst v63  }
0x181: {  	s15 =	simm.s32 $0xF900  }
0x182: {  	[tilespmem:s15], [sflag:$0x1] =	stream.indirect_vreg.gather [hbm4b:s1+s3], $0x80, v3, vm0, $0xb8;
	[tilespmem:$0x10100] =	vst v63  }
0x183: {  	_ =	swait.ge [sflag:s13], $0x8000  }
0x184: {  	[sflag:s13] =	ssyncset.done $0x0  }
0x185: {  	s0 =	simm.s32 $0x100;
	s15 =	rddreg [dreg:$0xa];
	[sflag:s13] =	ssyncadd.s32 $0xFFFF8000  }
0x186: {  	[hbm4b:s15+s3] =	stream.linear.scatter [tilespmem:s0], [sflag:$0x2], $0x8000, $0x38;
	[tilespmem:$0x10100] =	vst v63  }
0x187: {  	_ =	swait.ge [sflag:s13], $0x8000  }
0x188: {  	[sflag:s13] =	ssyncset.done $0x0  }
0x189: {  	[sflag:s13] =	ssyncadd.s32 $0xFFFF8000  }
0x18a: {  	_ =	swait.ge [sflag:s14], $0x8000  }
0x18b: {  	p0 =	sne.s32 s4, $0x1;
	[sflag:s14] =	ssyncset.done $0x0  }
.Ltmp0:
0x18c: {  	s0 =	rddreg [dreg:$0xb];
	[sflag:s14] =	ssyncadd.s32 $0xFFFF8000;
	(pc) =	sbr.rel @p0 .LBB2_1-.Ltmp0, $4  }
0x18d: {  	[hbm4b:s0+s3] =	stream.linear.scatter [tilespmem:s2], [sflag:$0x2], $0x8000, $0x38;
	[tilespmem:$0x10100] =	vst v63  }
0x18e: {  	_ =	swait.ge [sflag:s14], $0x8000  }
0x18f: {  	[sflag:s14] =	ssyncset.done $0x0  }
0x190: {  	s4 =	sadd.s32 $0xFFFFFFFF, s4;
	[sflag:s14] =	ssyncadd.s32 $0xFFFF8000  }
0x191: {  	_ =	sfence.sel $0x180000  }
0x192: {  	[bflag:$0x0] =	sbarrier.arrive $0xFFFF  }
0x193: {  	_ =	strace $0x90000047  }
0x194: {  	s0 =	stileid.u32;
	[bflag:$0x2] =	sbarrier.arrive $0xFFFF  }
0x195: {  	p0 =	sne.s32 s0, $0x0;
	s0 =	rddreg [dreg:$0x3]  }
0x196: {  	s0 =	sadd.s32 @!p0 $0x100000, s0  }
0x197: {  	[sflag:s0] =	ssyncadd.tile.s32 @!p0 $0x1;
	_ =	shalt  }
.Lfunc_end2:
_tile_overlayer_lowered:
.L_overlay_start_2:
0x198: {  	(tag) =	ssettag $0x2  }
0x199: {  	s0 =	rddreg [dreg:$0x0];
	s2 =	stileid.u32  }
0x19a: {  	s1 =	rddreg [dreg:$0x1];
	p0 =	sne.s32 s2, $0x0  }
0x19b: {  	s3 =	rddreg [dreg:$0x2];
	[bflag:$0x3] =	sbarrier.arrive $0xFFFF;
	s2 =	simm.s32 @!p0 $0x1C03  }
0x19c: {  	[timem:s3], [sflag:s2] =	dma.local @!p0 [hbm:s0], s1  }
0x19d: {  	s0 =	simm.s32 @!p0 $0x3  }
0x19e: {  	_ =	swait.ge @!p0 [sflag:s0], s1  }
0x19f: {  	s1 =	ssub.s32 @!p0 $0x0, s1;
	[sflag:s0] =	ssyncset.done @!p0 $0x0  }
0x1a0: {  	[sflag:s0] =	ssyncadd.s32 @!p0 s1  }
0x1a1: {  	[bflag:$0x3] =	sbarrier.arrive $0xFFFF  }
0x1a2: {  	_ =	shalt  }

</sc_bundles>
